<compile_context>
chip_gen: v7x
topology: tpu7x:2x2x1
jax: 0.10.2.dev20260603
libtpu: 0.0.44.dev20260713+nightly
codegen_flags: <defaults>
</compile_context>

<pallas_src>
import functools
import jax
import jax.numpy as jnp
from jax import lax
from jax.experimental import pallas as pl
from jax.experimental.pallas import tpu as pltpu
from jax.experimental.pallas import tpu_sc as plsc

N = 4096
D = 1024
E = 64
DF = 512
C = 128
TB = 512
NB = N // TB
TRASH = E * C
EPG = 2
EC_PAD = E * C + EPG * C

NC, NS = 2, 16
NW = NC * NS
TPW = N // NW


def _silu(z):
    return z / (1.0 + jnp.exp(-z))


def _router_body(x_ref, wr_ref, b_ref,
                 eidx_ref, gate16_ref, d_ref, counts_ref):
    i = pl.program_id(0)

    @pl.when(i == 0)
    def _():
        counts_ref[...] = jnp.zeros((1, E), jnp.float32)

    xb = x_ref[...]
    logits = jax.lax.dot_general(
        xb, wr_ref[...], (((1,), (0,)), ((), ())),
        preferred_element_type=jnp.float32) + b_ref[...]

    lmax = jnp.max(logits, axis=1, keepdims=True)
    s = jnp.sum(jnp.exp(logits - lmax), axis=1, keepdims=True)
    pmax = 1.0 / s
    gate = pmax / (pmax + 1e-9)

    col = lax.broadcasted_iota(jnp.int32, (TB, E), 1).astype(jnp.float32)
    is_max = logits == lmax
    e_f = jnp.min(jnp.where(is_max, col, jnp.float32(E)), axis=1,
                  keepdims=True)
    onehot = (col == e_f).astype(jnp.float32)

    r_iota = lax.broadcasted_iota(jnp.int32, (TB, TB), 0)
    c_iota = lax.broadcasted_iota(jnp.int32, (TB, TB), 1)
    ltri = (r_iota >= c_iota).astype(jnp.float32)
    inc = jax.lax.dot_general(ltri, onehot, (((1,), (0,)), ((), ())),
                              preferred_element_type=jnp.float32)
    rank = jnp.sum(inc * onehot, axis=1, keepdims=True)
    prev = jnp.sum(counts_ref[...] * onehot, axis=1, keepdims=True)
    slot = prev + rank - 1.0
    counts_ref[...] = counts_ref[...] + jnp.sum(onehot, axis=0, keepdims=True)

    keep = slot < jnp.float32(C)
    d = jnp.where(keep, e_f * jnp.float32(C) + slot, jnp.float32(TRASH))
    d_ref[...] = d.astype(jnp.int32)
    eidx_ref[...] = e_f.astype(jnp.int32)
    gate16_ref[...] = jnp.broadcast_to(gate, (TB, 128))


def _run_router(xf, W_router, bias):
    return pl.pallas_call(
        _router_body,
        grid=(NB,),
        in_specs=[
            pl.BlockSpec((TB, D), lambda i: (i, 0)),
            pl.BlockSpec((D, E), lambda i: (0, 0)),
            pl.BlockSpec((1, E), lambda i: (0, 0)),
        ],
        out_specs=[
            pl.BlockSpec((TB, 1), lambda i: (i, 0)),
            pl.BlockSpec((TB, 128), lambda i: (i, 0)),
            pl.BlockSpec((TB, 1), lambda i: (i, 0)),
        ],
        out_shape=[
            jax.ShapeDtypeStruct((N, 1), jnp.int32),
            jax.ShapeDtypeStruct((N, 128), jnp.float32),
            jax.ShapeDtypeStruct((N, 1), jnp.int32),
        ],
        scratch_shapes=[pltpu.VMEM((1, E), jnp.float32)],
    )(xf, W_router, bias)


def _shared_body(x_ref, swg_ref, swu_ref, swd_ref, shared_ref):
    xb = x_ref[...]
    hg = jax.lax.dot_general(xb, swg_ref[...], (((1,), (0,)), ((), ())),
                             preferred_element_type=jnp.float32)
    hu = jax.lax.dot_general(xb, swu_ref[...], (((1,), (0,)), ((), ())),
                             preferred_element_type=jnp.float32)
    h = _silu(hg) * hu
    shared_ref[...] = jax.lax.dot_general(
        h, swd_ref[...], (((1,), (0,)), ((), ())),
        preferred_element_type=jnp.float32)


def _run_shared(xf, sw_gate, sw_up, sw_down):
    return pl.pallas_call(
        _shared_body,
        grid=(NB,),
        in_specs=[
            pl.BlockSpec((TB, D), lambda i: (i, 0)),
            pl.BlockSpec((D, DF), lambda i: (0, 0)),
            pl.BlockSpec((D, DF), lambda i: (0, 0)),
            pl.BlockSpec((DF, D), lambda i: (0, 0)),
        ],
        out_specs=pl.BlockSpec((TB, D), lambda i: (i, 0)),
        out_shape=jax.ShapeDtypeStruct((N, D), jnp.float32),
    )(xf, sw_gate, sw_up, sw_down)


def _expert_ffn_body(xin_ref, wg_ref, wu_ref, wd_ref, gs_ref, y_ref):
    e = pl.program_id(0)
    ntr = e < (E // EPG)
    for k in range(EPG):
        xb = xin_ref[pl.ds(k * C, C), :]
        xb = jnp.where(ntr, xb, jnp.zeros_like(xb))
        wg = wg_ref[k]
        wu = wu_ref[k]
        wd = wd_ref[k]
        g = jax.lax.dot_general(xb, wg, (((1,), (1,)), ((), ())),
                                preferred_element_type=jnp.float32)
        u = jax.lax.dot_general(xb, wu, (((1,), (1,)), ((), ())),
                                preferred_element_type=jnp.float32)
        h = _silu(g) * u
        y = jax.lax.dot_general(h, wd, (((1,), (1,)), ((), ())),
                                preferred_element_type=jnp.float32)
        y = y * gs_ref[pl.ds(k * C, C), :1]
        y_ref[pl.ds(k * C, C), :] = jnp.where(ntr, y, jnp.zeros_like(y))


def _run_expert_ffn(expert_in, w_gate, w_up, w_down, gate_slots):
    G = E // EPG
    wix = lambda e: (jnp.minimum(e, G - 1), 0, 0)
    return pl.pallas_call(
        _expert_ffn_body,
        grid=(G + 1,),
        in_specs=[
            pl.BlockSpec((EPG * C, D), lambda e: (e, 0)),
            pl.BlockSpec((EPG, DF, D), wix),
            pl.BlockSpec((EPG, DF, D), wix),
            pl.BlockSpec((EPG, D, DF), wix),
            pl.BlockSpec((EPG * C, 128), lambda e: (e, 0)),
        ],
        out_specs=pl.BlockSpec((EPG * C, D), lambda e: (e, 0)),
        out_shape=jax.ShapeDtypeStruct((EC_PAD, D), jnp.float32),
    )(expert_in, w_gate, w_up, w_down, gate_slots)


@functools.cache
def _sc_mesh():
    return plsc.VectorSubcoreMesh(core_axis_name="c", subcore_axis_name="s",
                                  num_cores=NC, num_subcores=NS)


_BCH = 64


def _scatter_body(x_hbm, g16_hbm, d_hbm, out_hbm, gs_hbm,
                  idx_v, rows_v, g_v, sem, gsem):
    wid = lax.axis_index("s") * NC + lax.axis_index("c")
    base = wid * TPW
    for cch in range(TPW // _BCH):
        off = base + cch * _BCH
        pltpu.sync_copy(d_hbm.at[pl.ds(off, _BCH)], idx_v)
        pltpu.sync_copy(x_hbm.at[pl.ds(off, _BCH)], rows_v)
        pltpu.sync_copy(g16_hbm.at[pl.ds(off, _BCH)], g_v)
        row_cp = pltpu.async_copy(rows_v, out_hbm.at[idx_v], sem)
        g_cp = pltpu.async_copy(g_v, gs_hbm.at[idx_v], gsem)
        row_cp.wait()
        g_cp.wait()


@functools.cache
def _run_scatter():
    return pl.kernel(
        _scatter_body,
        out_type=(jax.ShapeDtypeStruct((EC_PAD, D), jnp.float32),
                  jax.ShapeDtypeStruct((EC_PAD, 128), jnp.float32)),
        mesh=_sc_mesh(),
        scratch_types=[
            pltpu.VMEM((_BCH,), jnp.int32),
            pltpu.VMEM((_BCH, D), jnp.float32),
            pltpu.VMEM((_BCH, 128), jnp.float32),
            pltpu.SemaphoreType.DMA,
            pltpu.SemaphoreType.DMA,
        ],
    )


_DCH = 32


def _combine_body(y_hbm, sh_hbm, d_hbm, out_hbm, idx_v, y_v, s_v, sem, ssem):
    wid = lax.axis_index("s") * NC + lax.axis_index("c")
    base = wid * TPW
    for cch in range(TPW // _DCH):
        off = base + cch * _DCH
        pltpu.sync_copy(d_hbm.at[pl.ds(off, _DCH)], idx_v)
        s_cp = pltpu.async_copy(sh_hbm.at[pl.ds(off, _DCH)], s_v, ssem)
        pltpu.async_copy(y_hbm.at[idx_v], y_v, sem).wait()
        s_cp.wait()

        @plsc.parallel_loop(0, _DCH * (D // 16), unroll=16)
        def _(i):
            r = lax.shift_right_logical(i, 6)
            c = pl.multiple_of(
                lax.shift_left(jnp.bitwise_and(i, (D // 16) - 1), 4), 16)
            s_v[r, pl.ds(c, 16)] = s_v[r, pl.ds(c, 16)] + y_v[r, pl.ds(c, 16)]

        pltpu.sync_copy(s_v, out_hbm.at[pl.ds(off, _DCH)])


@functools.cache
def _run_combine():
    return pl.kernel(
        _combine_body,
        out_type=jax.ShapeDtypeStruct((N, D), jnp.float32),
        mesh=_sc_mesh(),
        scratch_types=[
            pltpu.VMEM((_DCH,), jnp.int32),
            pltpu.VMEM((_DCH, D), jnp.float32),
            pltpu.VMEM((_DCH, D), jnp.float32),
            pltpu.SemaphoreType.DMA,
            pltpu.SemaphoreType.DMA,
        ],
    )


def kernel(x, W_router, bias, sw_gate, sw_up, sw_down, w_gate, w_up, w_down):
    Bb, Tt, Dm = x.shape
    xf = x.reshape(N, D)
    eidx, gate16, d = _run_router(xf, W_router, bias[:1])
    shared = _run_shared(xf, sw_gate, sw_up, sw_down)
    d1 = d.reshape(N)
    expert_in, gate_slots = _run_scatter()(xf, gate16, d1)
    y = _run_expert_ffn(expert_in, w_gate, w_up, w_down, gate_slots)
    out = _run_combine()(y, shared, d1)
    aux_loss = jnp.zeros((), jnp.float32)
    return (out.reshape(Bb, Tt, Dm), aux_loss, eidx.reshape(Bb, Tt, 1))

# --- scband reference (transcript-rebuilt; emitter-appended) ---
"""Pipeline reference for scband-mo-elayer-57913339019896 (READ-ONLY COPY).

The authoritative reference and input builder live on the scoring server;
editing this copy changes nothing except your own understanding.
"""

import jax, jax.numpy as jnp
import numpy as np

B, T, D_MODEL = 1, 4096, 1024
E, K, DF = 64, 1, 512
N_SHARED = 1
CF = 2.0
NUM_LOOPS = 1


def setup_inputs(seed: int = 0) -> dict:
    key = jax.random.key(seed)
    ks = jax.random.split(key, 10)
    s = 0.02
    x = jax.random.normal(ks[0], (B, T, D_MODEL), dtype=jnp.float32)
    W_router = jax.random.normal(ks[1], (D_MODEL, E), dtype=jnp.float32) * s
    bias = jnp.zeros((NUM_LOOPS, E), dtype=jnp.float32)
    sw_gate = jax.random.normal(ks[2], (D_MODEL, DF), dtype=jnp.float32) * s
    sw_up = jax.random.normal(ks[3], (D_MODEL, DF), dtype=jnp.float32) * s
    sw_down = jax.random.normal(ks[4], (DF, D_MODEL), dtype=jnp.float32) * s
    w_gate = jax.random.normal(ks[5], (E, DF, D_MODEL), dtype=jnp.float32) * s
    w_up = jax.random.normal(ks[6], (E, DF, D_MODEL), dtype=jnp.float32) * s
    w_down = jax.random.normal(ks[7], (E, D_MODEL, DF), dtype=jnp.float32) * s
    return {"x": x, "W_router": W_router, "bias": bias, "sw_gate": sw_gate,
            "sw_up": sw_up, "sw_down": sw_down, "w_gate": w_gate,
            "w_up": w_up, "w_down": w_down}


def reference(x, W_router, bias, sw_gate, sw_up, sw_down, w_gate, w_up, w_down):
    Bb, Tt, D = x.shape
    N = Bb * Tt
    dtype = x.dtype
    # Router logits + persistent bias (loop_idx=0)
    router_logits = jnp.einsum('btd,de->bte', x, W_router) + bias[0].astype(dtype)
    # Shared SwiGLU expert(s), averaged
    h_s = jax.nn.silu(x @ sw_gate) * (x @ sw_up)
    shared_out = (h_s @ sw_down) / max(1, N_SHARED)
    # Capacity
    C = max(1, int(N * K * CF / E))
    x_flat = x.reshape(N, D)
    router_probs = jax.nn.softmax(router_logits, axis=-1)
    topk_probs, topk_indices = jax.lax.top_k(router_probs, K)
    topk_probs = topk_probs / (topk_probs.sum(axis=-1, keepdims=True) + 1e-09)
    topk_flat = topk_indices.reshape(-1)
    probs_flat = topk_probs.reshape(-1)
    token_ids = jnp.broadcast_to(jnp.arange(N)[:, None], (N, K)).reshape(-1)
    sort_idx = jnp.argsort(topk_flat)
    sorted_exp = topk_flat[sort_idx]
    sorted_tok = token_ids[sort_idx]
    sorted_gate = probs_flat[sort_idx]
    M = sorted_exp.shape[0]
    positions = jnp.arange(M, dtype=jnp.int32)
    diff = sorted_exp[1:] != sorted_exp[:-1]
    is_first = jnp.concatenate([jnp.ones(1, dtype=jnp.bool_), diff])
    group_starts = jax.lax.cummax(positions * is_first.astype(jnp.int32), axis=0)
    slot_indices = positions - group_starts
    valid = slot_indices < C
    valid_exp = jnp.where(valid, sorted_exp, 0)
    valid_slot = jnp.where(valid, slot_indices, 0)
    flat_idx = valid_exp * C + valid_slot
    sorted_x = x_flat[sorted_tok]
    expert_in = jnp.zeros((E * C, D), dtype=dtype)
    expert_gate = jnp.zeros((E * C,), dtype=dtype)
    expert_mask = jnp.zeros((E * C,), dtype=jnp.bool_)
    expert_in = expert_in.at[flat_idx].add(jnp.where(valid[:, None], sorted_x, 0.0))
    expert_gate = expert_gate.at[flat_idx].add(jnp.where(valid, sorted_gate, 0.0))
    expert_mask = expert_mask.at[flat_idx].set(valid)
    expert_in = expert_in.reshape(E, C, D)
    expert_gate = expert_gate.reshape(E, C)
    # Sparse expert bank (packed SwiGLU)
    h_gate = jnp.einsum('ecd,efd->ecf', expert_in, w_gate)
    h_up = jnp.einsum('ecd,efd->ecf', expert_in, w_up)
    hidden = jax.nn.silu(h_gate) * h_up
    expert_out = jnp.einsum('ecf,edf->ecd', hidden, w_down)
    gated = expert_out * expert_gate[..., None]
    gated_flat = gated.reshape(E * C, D)
    mask_flat = expert_mask.reshape(-1)
    tok_lookup = jnp.full((E, C), N, dtype=jnp.int32)
    tok_lookup = tok_lookup.at[valid_exp, valid_slot].set(jnp.where(valid, sorted_tok, N))
    tok_flat = tok_lookup.reshape(-1)
    safe_dst = jnp.clip(tok_flat, 0, N)
    sparse_out = jnp.zeros((N + 1, D), dtype=dtype)
    sparse_out = sparse_out.at[safe_dst].add(jnp.where(mask_flat[:, None], gated_flat, 0.0))
    sparse_out = sparse_out[:N].reshape(Bb, Tt, D)
    aux_loss = jnp.zeros((), dtype=dtype)
    return (shared_out + sparse_out, aux_loss, topk_indices)

if __name__ == "__main__":
    import jax
    _d = setup_inputs()
    print(jax.jit(kernel)(*tuple(_d.values())))

</pallas_src>

<mosaic_0001>
#map = affine_map<(d0, d1) -> (0, 0)>
#map1 = affine_map<(d0, d1) -> (0)>
module attributes {stable_mosaic.version = 14 : i64} {
  func.func @_scatter_body(%arg0: i32, %arg1: i32, %arg2: memref<4096x1024xf32, #tpu.memory_space<hbm>>, %arg3: memref<4096x128xf32, #tpu.memory_space<hbm>>, %arg4: memref<4096xi32, #tpu.memory_space<hbm>>, %arg5: memref<8448x1024xf32, #tpu.memory_space<hbm>>, %arg6: memref<8448x128xf32, #tpu.memory_space<hbm>>, %arg7: memref<64xi32, #tpu.memory_space<vmem>>, %arg8: memref<64x1024xf32, #tpu.memory_space<vmem>>, %arg9: memref<64x128xf32, #tpu.memory_space<vmem>>, %arg10: memref<!tpu.dma_semaphore, #tpu.memory_space<semaphore_mem>>, %arg11: memref<!tpu.dma_semaphore, #tpu.memory_space<semaphore_mem>>) attributes {dimension_semantics = [#tpu.dimension_semantics<core_parallel>, #tpu.dimension_semantics<subcore_parallel>], iteration_bounds = array<i64: 2, 16>, scalar_prefetch = 0 : i64, scratch_operands = 5 : i64, tpu.core_type = #tpu.core_type<sc_vector_subcore>, window_params = [{transform_indices = #map}, {transform_indices = #map}, {transform_indices = #map1}, {transform_indices = #map}, {transform_indices = #map}]} {
    %mul3A = arith.constant 2 : i32
    %mul3A_0 = arith.muli %arg1, %mul3A : i32
    %add3A = arith.addi %mul3A_0, %arg0 : i32
    %mul3A_1 = arith.constant 128 : i32
    %mul3A_2 = arith.muli %add3A, %mul3A_1 : i32
    %add3A_3 = arith.constant 0 : i32
    %add3A_4 = arith.addi %mul3A_2, %add3A_3 : i32
    "tpu.region"() ({
      %run_scoped3A = tpu.sem_alloc : memref<!tpu.dma_semaphore, #tpu.memory_space<semaphore_mem>>
      %dma_start3A_29 = tpu.memref_slice %arg4[%add3A_4] : memref<4096xi32, #tpu.memory_space<hbm>> -> memref<64xi32, #tpu.memory_space<hbm>>
      %dma_start3A_30 = tpu.memref_slice %arg4[%add3A_4] : memref<4096xi32, #tpu.memory_space<hbm>> -> memref<64xi32, #tpu.memory_space<hbm>>
      tpu.enqueue_dma source(%dma_start3A_30 : memref<64xi32, #tpu.memory_space<hbm>>) target(%arg7 : memref<64xi32, #tpu.memory_space<vmem>>) target_semaphore(%run_scoped3A : memref<!tpu.dma_semaphore, #tpu.memory_space<semaphore_mem>>)
      %dma_wait3A_31 = tpu.memref_slice %arg4[%add3A_4] : memref<4096xi32, #tpu.memory_space<hbm>> -> memref<64xi32, #tpu.memory_space<hbm>>
      %dma_wait3A_32 = tpu.memref_slice %arg4[%add3A_4] : memref<4096xi32, #tpu.memory_space<hbm>> -> memref<64xi32, #tpu.memory_space<hbm>>
      tpu.wait_dma2 semaphore(%run_scoped3A : memref<!tpu.dma_semaphore, #tpu.memory_space<semaphore_mem>>) src(%dma_wait3A_32 : memref<64xi32, #tpu.memory_space<hbm>>) dst(%arg7 : memref<64xi32, #tpu.memory_space<vmem>>)
      tpu.yield
    }) : () -> ()
    "tpu.region"() ({
      %run_scoped3A = tpu.sem_alloc : memref<!tpu.dma_semaphore, #tpu.memory_space<semaphore_mem>>
      %dma_start3A_29 = arith.constant 0 : i32
      %dma_start3A_30 = tpu.memref_slice %arg2[%add3A_4, %dma_start3A_29] : memref<4096x1024xf32, #tpu.memory_space<hbm>> -> memref<64x1024xf32, #tpu.memory_space<hbm>>
      %dma_start3A_31 = arith.constant 0 : i32
      %dma_start3A_32 = tpu.memref_slice %arg2[%add3A_4, %dma_start3A_31] : memref<4096x1024xf32, #tpu.memory_space<hbm>> -> memref<64x1024xf32, #tpu.memory_space<hbm>>
      tpu.enqueue_dma source(%dma_start3A_32 : memref<64x1024xf32, #tpu.memory_space<hbm>>) target(%arg8 : memref<64x1024xf32, #tpu.memory_space<vmem>>) target_semaphore(%run_scoped3A : memref<!tpu.dma_semaphore, #tpu.memory_space<semaphore_mem>>)
      %dma_wait3A_33 = arith.constant 0 : i32
      %dma_wait3A_34 = tpu.memref_slice %arg2[%add3A_4, %dma_wait3A_33] : memref<4096x1024xf32, #tpu.memory_space<hbm>> -> memref<64x1024xf32, #tpu.memory_space<hbm>>
      %dma_wait3A_35 = arith.constant 0 : i32
      %dma_wait3A_36 = tpu.memref_slice %arg2[%add3A_4, %dma_wait3A_35] : memref<4096x1024xf32, #tpu.memory_space<hbm>> -> memref<64x1024xf32, #tpu.memory_space<hbm>>
      tpu.wait_dma2 semaphore(%run_scoped3A : memref<!tpu.dma_semaphore, #tpu.memory_space<semaphore_mem>>) src(%dma_wait3A_36 : memref<64x1024xf32, #tpu.memory_space<hbm>>) dst(%arg8 : memref<64x1024xf32, #tpu.memory_space<vmem>>)
      tpu.yield
    }) : () -> ()
    "tpu.region"() ({
      %run_scoped3A = tpu.sem_alloc : memref<!tpu.dma_semaphore, #tpu.memory_space<semaphore_mem>>
      %dma_start3A_29 = arith.constant 0 : i32
      %dma_start3A_30 = tpu.memref_slice %arg3[%add3A_4, %dma_start3A_29] : memref<4096x128xf32, #tpu.memory_space<hbm>> -> memref<64x128xf32, #tpu.memory_space<hbm>>
      %dma_start3A_31 = arith.constant 0 : i32
      %dma_start3A_32 = tpu.memref_slice %arg3[%add3A_4, %dma_start3A_31] : memref<4096x128xf32, #tpu.memory_space<hbm>> -> memref<64x128xf32, #tpu.memory_space<hbm>>
      tpu.enqueue_dma source(%dma_start3A_32 : memref<64x128xf32, #tpu.memory_space<hbm>>) target(%arg9 : memref<64x128xf32, #tpu.memory_space<vmem>>) target_semaphore(%run_scoped3A : memref<!tpu.dma_semaphore, #tpu.memory_space<semaphore_mem>>)
      %dma_wait3A_33 = arith.constant 0 : i32
      %dma_wait3A_34 = tpu.memref_slice %arg3[%add3A_4, %dma_wait3A_33] : memref<4096x128xf32, #tpu.memory_space<hbm>> -> memref<64x128xf32, #tpu.memory_space<hbm>>
      %dma_wait3A_35 = arith.constant 0 : i32
      %dma_wait3A_36 = tpu.memref_slice %arg3[%add3A_4, %dma_wait3A_35] : memref<4096x128xf32, #tpu.memory_space<hbm>> -> memref<64x128xf32, #tpu.memory_space<hbm>>
      tpu.wait_dma2 semaphore(%run_scoped3A : memref<!tpu.dma_semaphore, #tpu.memory_space<semaphore_mem>>) src(%dma_wait3A_36 : memref<64x128xf32, #tpu.memory_space<hbm>>) dst(%arg9 : memref<64x128xf32, #tpu.memory_space<vmem>>)
      tpu.yield
    }) : () -> ()
    %dma_start3A = arith.constant 0 : i32
    %dma_start3A_5 = arith.constant 0 : i32
    %dma_start3A_6 = tpu.memref_slice %arg5[%dma_start3A, %dma_start3A_5] : memref<8448x1024xf32, #tpu.memory_space<hbm>> -> memref<8448x1024xf32, #tpu.memory_space<hbm>>
    tpu.enqueue_indirect_dma source(%arg8 : memref<64x1024xf32, #tpu.memory_space<vmem>>) target(%dma_start3A_6 : memref<8448x1024xf32, #tpu.memory_space<hbm>>) offsets(%arg7 : memref<64xi32, #tpu.memory_space<vmem>>) semaphore(%arg10 : memref<!tpu.dma_semaphore, #tpu.memory_space<semaphore_mem>>)
    %dma_start3A_7 = arith.constant 0 : i32
    %dma_start3A_8 = arith.constant 0 : i32
    %dma_start3A_9 = tpu.memref_slice %arg6[%dma_start3A_7, %dma_start3A_8] : memref<8448x128xf32, #tpu.memory_space<hbm>> -> memref<8448x128xf32, #tpu.memory_space<hbm>>
    tpu.enqueue_indirect_dma source(%arg9 : memref<64x128xf32, #tpu.memory_space<vmem>>) target(%dma_start3A_9 : memref<8448x128xf32, #tpu.memory_space<hbm>>) offsets(%arg7 : memref<64xi32, #tpu.memory_space<vmem>>) semaphore(%arg11 : memref<!tpu.dma_semaphore, #tpu.memory_space<semaphore_mem>>)
    %dma_wait3A = arith.constant 0 : i32
    %dma_wait3A_10 = arith.constant 0 : i32
    %dma_wait3A_11 = tpu.memref_slice %arg5[%dma_wait3A, %dma_wait3A_10] : memref<8448x1024xf32, #tpu.memory_space<hbm>> -> memref<8448x1024xf32, #tpu.memory_space<hbm>>
    tpu.wait_indirect_dma semaphore(%arg10 : memref<!tpu.dma_semaphore, #tpu.memory_space<semaphore_mem>>) src(%arg8 : memref<64x1024xf32, #tpu.memory_space<vmem>>) dst(%dma_wait3A_11 : memref<8448x1024xf32, #tpu.memory_space<hbm>>)
    %dma_wait3A_12 = arith.constant 0 : i32
    %dma_wait3A_13 = arith.constant 0 : i32
    %dma_wait3A_14 = tpu.memref_slice %arg6[%dma_wait3A_12, %dma_wait3A_13] : memref<8448x128xf32, #tpu.memory_space<hbm>> -> memref<8448x128xf32, #tpu.memory_space<hbm>>
    tpu.wait_indirect_dma semaphore(%arg11 : memref<!tpu.dma_semaphore, #tpu.memory_space<semaphore_mem>>) src(%arg9 : memref<64x128xf32, #tpu.memory_space<vmem>>) dst(%dma_wait3A_14 : memref<8448x128xf32, #tpu.memory_space<hbm>>)
    %add3A_15 = arith.constant 64 : i32
    %add3A_16 = arith.addi %mul3A_2, %add3A_15 : i32
    "tpu.region"() ({
      %run_scoped3A = tpu.sem_alloc : memref<!tpu.dma_semaphore, #tpu.memory_space<semaphore_mem>>
      %dma_start3A_29 = tpu.memref_slice %arg4[%add3A_16] : memref<4096xi32, #tpu.memory_space<hbm>> -> memref<64xi32, #tpu.memory_space<hbm>>
      %dma_start3A_30 = tpu.memref_slice %arg4[%add3A_16] : memref<4096xi32, #tpu.memory_space<hbm>> -> memref<64xi32, #tpu.memory_space<hbm>>
      tpu.enqueue_dma source(%dma_start3A_30 : memref<64xi32, #tpu.memory_space<hbm>>) target(%arg7 : memref<64xi32, #tpu.memory_space<vmem>>) target_semaphore(%run_scoped3A : memref<!tpu.dma_semaphore, #tpu.memory_space<semaphore_mem>>)
      %dma_wait3A_31 = tpu.memref_slice %arg4[%add3A_16] : memref<4096xi32, #tpu.memory_space<hbm>> -> memref<64xi32, #tpu.memory_space<hbm>>
      %dma_wait3A_32 = tpu.memref_slice %arg4[%add3A_16] : memref<4096xi32, #tpu.memory_space<hbm>> -> memref<64xi32, #tpu.memory_space<hbm>>
      tpu.wait_dma2 semaphore(%run_scoped3A : memref<!tpu.dma_semaphore, #tpu.memory_space<semaphore_mem>>) src(%dma_wait3A_32 : memref<64xi32, #tpu.memory_space<hbm>>) dst(%arg7 : memref<64xi32, #tpu.memory_space<vmem>>)
      tpu.yield
    }) : () -> ()
    "tpu.region"() ({
      %run_scoped3A = tpu.sem_alloc : memref<!tpu.dma_semaphore, #tpu.memory_space<semaphore_mem>>
      %dma_start3A_29 = arith.constant 0 : i32
      %dma_start3A_30 = tpu.memref_slice %arg2[%add3A_16, %dma_start3A_29] : memref<4096x1024xf32, #tpu.memory_space<hbm>> -> memref<64x1024xf32, #tpu.memory_space<hbm>>
      %dma_start3A_31 = arith.constant 0 : i32
      %dma_start3A_32 = tpu.memref_slice %arg2[%add3A_16, %dma_start3A_31] : memref<4096x1024xf32, #tpu.memory_space<hbm>> -> memref<64x1024xf32, #tpu.memory_space<hbm>>
      tpu.enqueue_dma source(%dma_start3A_32 : memref<64x1024xf32, #tpu.memory_space<hbm>>) target(%arg8 : memref<64x1024xf32, #tpu.memory_space<vmem>>) target_semaphore(%run_scoped3A : memref<!tpu.dma_semaphore, #tpu.memory_space<semaphore_mem>>)
      %dma_wait3A_33 = arith.constant 0 : i32
      %dma_wait3A_34 = tpu.memref_slice %arg2[%add3A_16, %dma_wait3A_33] : memref<4096x1024xf32, #tpu.memory_space<hbm>> -> memref<64x1024xf32, #tpu.memory_space<hbm>>
      %dma_wait3A_35 = arith.constant 0 : i32
      %dma_wait3A_36 = tpu.memref_slice %arg2[%add3A_16, %dma_wait3A_35] : memref<4096x1024xf32, #tpu.memory_space<hbm>> -> memref<64x1024xf32, #tpu.memory_space<hbm>>
      tpu.wait_dma2 semaphore(%run_scoped3A : memref<!tpu.dma_semaphore, #tpu.memory_space<semaphore_mem>>) src(%dma_wait3A_36 : memref<64x1024xf32, #tpu.memory_space<hbm>>) dst(%arg8 : memref<64x1024xf32, #tpu.memory_space<vmem>>)
      tpu.yield
    }) : () -> ()
    "tpu.region"() ({
      %run_scoped3A = tpu.sem_alloc : memref<!tpu.dma_semaphore, #tpu.memory_space<semaphore_mem>>
      %dma_start3A_29 = arith.constant 0 : i32
      %dma_start3A_30 = tpu.memref_slice %arg3[%add3A_16, %dma_start3A_29] : memref<4096x128xf32, #tpu.memory_space<hbm>> -> memref<64x128xf32, #tpu.memory_space<hbm>>
      %dma_start3A_31 = arith.constant 0 : i32
      %dma_start3A_32 = tpu.memref_slice %arg3[%add3A_16, %dma_start3A_31] : memref<4096x128xf32, #tpu.memory_space<hbm>> -> memref<64x128xf32, #tpu.memory_space<hbm>>
      tpu.enqueue_dma source(%dma_start3A_32 : memref<64x128xf32, #tpu.memory_space<hbm>>) target(%arg9 : memref<64x128xf32, #tpu.memory_space<vmem>>) target_semaphore(%run_scoped3A : memref<!tpu.dma_semaphore, #tpu.memory_space<semaphore_mem>>)
      %dma_wait3A_33 = arith.constant 0 : i32
      %dma_wait3A_34 = tpu.memref_slice %arg3[%add3A_16, %dma_wait3A_33] : memref<4096x128xf32, #tpu.memory_space<hbm>> -> memref<64x128xf32, #tpu.memory_space<hbm>>
      %dma_wait3A_35 = arith.constant 0 : i32
      %dma_wait3A_36 = tpu.memref_slice %arg3[%add3A_16, %dma_wait3A_35] : memref<4096x128xf32, #tpu.memory_space<hbm>> -> memref<64x128xf32, #tpu.memory_space<hbm>>
      tpu.wait_dma2 semaphore(%run_scoped3A : memref<!tpu.dma_semaphore, #tpu.memory_space<semaphore_mem>>) src(%dma_wait3A_36 : memref<64x128xf32, #tpu.memory_space<hbm>>) dst(%arg9 : memref<64x128xf32, #tpu.memory_space<vmem>>)
      tpu.yield
    }) : () -> ()
    %dma_start3A_17 = arith.constant 0 : i32
    %dma_start3A_18 = arith.constant 0 : i32
    %dma_start3A_19 = tpu.memref_slice %arg5[%dma_start3A_17, %dma_start3A_18] : memref<8448x1024xf32, #tpu.memory_space<hbm>> -> memref<8448x1024xf32, #tpu.memory_space<hbm>>
    tpu.enqueue_indirect_dma source(%arg8 : memref<64x1024xf32, #tpu.memory_space<vmem>>) target(%dma_start3A_19 : memref<8448x1024xf32, #tpu.memory_space<hbm>>) offsets(%arg7 : memref<64xi32, #tpu.memory_space<vmem>>) semaphore(%arg10 : memref<!tpu.dma_semaphore, #tpu.memory_space<semaphore_mem>>)
    %dma_start3A_20 = arith.constant 0 : i32
    %dma_start3A_21 = arith.constant 0 : i32
    %dma_start3A_22 = tpu.memref_slice %arg6[%dma_start3A_20, %dma_start3A_21] : memref<8448x128xf32, #tpu.memory_space<hbm>> -> memref<8448x128xf32, #tpu.memory_space<hbm>>
    tpu.enqueue_indirect_dma source(%arg9 : memref<64x128xf32, #tpu.memory_space<vmem>>) target(%dma_start3A_22 : memref<8448x128xf32, #tpu.memory_space<hbm>>) offsets(%arg7 : memref<64xi32, #tpu.memory_space<vmem>>) semaphore(%arg11 : memref<!tpu.dma_semaphore, #tpu.memory_space<semaphore_mem>>)
    %dma_wait3A_23 = arith.constant 0 : i32
    %dma_wait3A_24 = arith.constant 0 : i32
    %dma_wait3A_25 = tpu.memref_slice %arg5[%dma_wait3A_23, %dma_wait3A_24] : memref<8448x1024xf32, #tpu.memory_space<hbm>> -> memref<8448x1024xf32, #tpu.memory_space<hbm>>
    tpu.wait_indirect_dma semaphore(%arg10 : memref<!tpu.dma_semaphore, #tpu.memory_space<semaphore_mem>>) src(%arg8 : memref<64x1024xf32, #tpu.memory_space<vmem>>) dst(%dma_wait3A_25 : memref<8448x1024xf32, #tpu.memory_space<hbm>>)
    %dma_wait3A_26 = arith.constant 0 : i32
    %dma_wait3A_27 = arith.constant 0 : i32
    %dma_wait3A_28 = tpu.memref_slice %arg6[%dma_wait3A_26, %dma_wait3A_27] : memref<8448x128xf32, #tpu.memory_space<hbm>> -> memref<8448x128xf32, #tpu.memory_space<hbm>>
    tpu.wait_indirect_dma semaphore(%arg11 : memref<!tpu.dma_semaphore, #tpu.memory_space<semaphore_mem>>) src(%arg9 : memref<64x128xf32, #tpu.memory_space<vmem>>) dst(%dma_wait3A_28 : memref<8448x128xf32, #tpu.memory_space<hbm>>)
    return
  }
}

#map = affine_map<(d0, d1) -> (0, 0)>
#map1 = affine_map<(d0, d1) -> (0)>
module attributes {stable_mosaic.version = 14 : i64} {
  func.func @_combine_body(%arg0: i32, %arg1: i32, %arg2: memref<8448x1024xf32, #tpu.memory_space<hbm>>, %arg3: memref<4096x1024xf32, #tpu.memory_space<hbm>>, %arg4: memref<4096xi32, #tpu.memory_space<hbm>>, %arg5: memref<4096x1024xf32, #tpu.memory_space<hbm>>, %arg6: memref<32xi32, #tpu.memory_space<vmem>>, %arg7: memref<32x1024xf32, #tpu.memory_space<vmem>>, %arg8: memref<32x1024xf32, #tpu.memory_space<vmem>>, %arg9: memref<!tpu.dma_semaphore, #tpu.memory_space<semaphore_mem>>, %arg10: memref<!tpu.dma_semaphore, #tpu.memory_space<semaphore_mem>>) attributes {dimension_semantics = [#tpu.dimension_semantics<core_parallel>, #tpu.dimension_semantics<subcore_parallel>], iteration_bounds = array<i64: 2, 16>, scalar_prefetch = 0 : i64, scratch_operands = 5 : i64, tpu.core_type = #tpu.core_type<sc_vector_subcore>, window_params = [{transform_indices = #map}, {transform_indices = #map}, {transform_indices = #map1}, {transform_indices = #map}]} {
    %mul3A = arith.constant 2 : i32
    %mul3A_0 = arith.muli %arg1, %mul3A : i32
    %add3A = arith.addi %mul3A_0, %arg0 : i32
    %mul3A_1 = arith.constant 128 : i32
    %mul3A_2 = arith.muli %add3A, %mul3A_1 : i32
    %add3A_3 = arith.constant 0 : i32
    %add3A_4 = arith.addi %mul3A_2, %add3A_3 : i32
    "tpu.region"() ({
      %run_scoped3A = tpu.sem_alloc : memref<!tpu.dma_semaphore, #tpu.memory_space<semaphore_mem>>
      %dma_start3A_76 = tpu.memref_slice %arg4[%add3A_4] : memref<4096xi32, #tpu.memory_space<hbm>> -> memref<32xi32, #tpu.memory_space<hbm>>
      %dma_start3A_77 = tpu.memref_slice %arg4[%add3A_4] : memref<4096xi32, #tpu.memory_space<hbm>> -> memref<32xi32, #tpu.memory_space<hbm>>
      tpu.enqueue_dma source(%dma_start3A_77 : memref<32xi32, #tpu.memory_space<hbm>>) target(%arg6 : memref<32xi32, #tpu.memory_space<vmem>>) target_semaphore(%run_scoped3A : memref<!tpu.dma_semaphore, #tpu.memory_space<semaphore_mem>>)
      %dma_wait3A_78 = tpu.memref_slice %arg4[%add3A_4] : memref<4096xi32, #tpu.memory_space<hbm>> -> memref<32xi32, #tpu.memory_space<hbm>>
      %dma_wait3A_79 = tpu.memref_slice %arg4[%add3A_4] : memref<4096xi32, #tpu.memory_space<hbm>> -> memref<32xi32, #tpu.memory_space<hbm>>
      tpu.wait_dma2 semaphore(%run_scoped3A : memref<!tpu.dma_semaphore, #tpu.memory_space<semaphore_mem>>) src(%dma_wait3A_79 : memref<32xi32, #tpu.memory_space<hbm>>) dst(%arg6 : memref<32xi32, #tpu.memory_space<vmem>>)
      tpu.yield
    }) : () -> ()
    %dma_start3A = arith.constant 0 : i32
    %dma_start3A_5 = tpu.memref_slice %arg3[%add3A_4, %dma_start3A] : memref<4096x1024xf32, #tpu.memory_space<hbm>> -> memref<32x1024xf32, #tpu.memory_space<hbm>>
    %dma_start3A_6 = arith.constant 0 : i32
    %dma_start3A_7 = tpu.memref_slice %arg3[%add3A_4, %dma_start3A_6] : memref<4096x1024xf32, #tpu.memory_space<hbm>> -> memref<32x1024xf32, #tpu.memory_space<hbm>>
    tpu.enqueue_dma source(%dma_start3A_7 : memref<32x1024xf32, #tpu.memory_space<hbm>>) target(%arg8 : memref<32x1024xf32, #tpu.memory_space<vmem>>) target_semaphore(%arg10 : memref<!tpu.dma_semaphore, #tpu.memory_space<semaphore_mem>>)
    %dma_start3A_8 = arith.constant 0 : i32
    %dma_start3A_9 = arith.constant 0 : i32
    %dma_start3A_10 = tpu.memref_slice %arg2[%dma_start3A_8, %dma_start3A_9] : memref<8448x1024xf32, #tpu.memory_space<hbm>> -> memref<8448x1024xf32, #tpu.memory_space<hbm>>
    tpu.enqueue_indirect_dma source(%dma_start3A_10 : memref<8448x1024xf32, #tpu.memory_space<hbm>>) target(%arg7 : memref<32x1024xf32, #tpu.memory_space<vmem>>) offsets(%arg6 : memref<32xi32, #tpu.memory_space<vmem>>) semaphore(%arg9 : memref<!tpu.dma_semaphore, #tpu.memory_space<semaphore_mem>>)
    %dma_wait3A = arith.constant 0 : i32
    %dma_wait3A_11 = arith.constant 0 : i32
    %dma_wait3A_12 = tpu.memref_slice %arg2[%dma_wait3A, %dma_wait3A_11] : memref<8448x1024xf32, #tpu.memory_space<hbm>> -> memref<8448x1024xf32, #tpu.memory_space<hbm>>
    tpu.wait_indirect_dma semaphore(%arg9 : memref<!tpu.dma_semaphore, #tpu.memory_space<semaphore_mem>>) src(%dma_wait3A_12 : memref<8448x1024xf32, #tpu.memory_space<hbm>>) dst(%arg7 : memref<32x1024xf32, #tpu.memory_space<vmem>>)
    %dma_wait3A_13 = arith.constant 0 : i32
    %dma_wait3A_14 = tpu.memref_slice %arg3[%add3A_4, %dma_wait3A_13] : memref<4096x1024xf32, #tpu.memory_space<hbm>> -> memref<32x1024xf32, #tpu.memory_space<hbm>>
    %dma_wait3A_15 = arith.constant 0 : i32
    %dma_wait3A_16 = tpu.memref_slice %arg3[%add3A_4, %dma_wait3A_15] : memref<4096x1024xf32, #tpu.memory_space<hbm>> -> memref<32x1024xf32, #tpu.memory_space<hbm>>
    tpu.wait_dma2 semaphore(%arg10 : memref<!tpu.dma_semaphore, #tpu.memory_space<semaphore_mem>>) src(%dma_wait3A_16 : memref<32x1024xf32, #tpu.memory_space<hbm>>) dst(%arg8 : memref<32x1024xf32, #tpu.memory_space<vmem>>)
    %parallel_loop3A = arith.constant 0 : i32
    %parallel_loop3A_17 = arith.constant 2048 : i32
    %parallel_loop3A_18 = arith.constant 1 : i32
    scf.for %parallel_loop3A_76 = %parallel_loop3A to %parallel_loop3A_17 step %parallel_loop3A_18  : i32 {
      %parallel_loop3A_77 = arith.constant 6 : i32
      %parallel_loop3A_78 = arith.shrui %parallel_loop3A_76, %parallel_loop3A_77 : i32
      %parallel_loop3A_79 = arith.constant 63 : i32
      %parallel_loop3A_80 = arith.andi %parallel_loop3A_76, %parallel_loop3A_79 : i32
      %parallel_loop3A_81 = arith.constant 4 : i32
      %parallel_loop3A_82 = arith.shli %parallel_loop3A_80, %parallel_loop3A_81 : i32
      %parallel_loop3A_83 = tpu.assume_multiple %parallel_loop3A_82, 16 : i32
      %parallel_loop3A_84 = arith.index_cast %parallel_loop3A_78 : i32 to index
      %parallel_loop3A_85 = arith.index_cast %parallel_loop3A_83 : i32 to index
      %parallel_loop3A_86 = tpu.vector_load %arg8[%parallel_loop3A_84, %parallel_loop3A_85] {strides = array<i32>} : memref<32x1024xf32, #tpu.memory_space<vmem>>, vector<1x16xf32>,
      %parallel_loop3A_87 = vector.shape_cast %parallel_loop3A_86 : vector<1x16xf32> to vector<16xf32>
      %parallel_loop3A_88 = arith.index_cast %parallel_loop3A_78 : i32 to index
      %parallel_loop3A_89 = arith.index_cast %parallel_loop3A_83 : i32 to index
      %parallel_loop3A_90 = tpu.vector_load %arg7[%parallel_loop3A_88, %parallel_loop3A_89] {strides = array<i32>} : memref<32x1024xf32, #tpu.memory_space<vmem>>, vector<1x16xf32>,
      %parallel_loop3A_91 = vector.shape_cast %parallel_loop3A_90 : vector<1x16xf32> to vector<16xf32>
      %parallel_loop3A_92 = arith.addf %parallel_loop3A_87, %parallel_loop3A_91 : vector<16xf32>
      %parallel_loop3A_93 = arith.index_cast %parallel_loop3A_78 : i32 to index
      %parallel_loop3A_94 = arith.index_cast %parallel_loop3A_83 : i32 to index
      %parallel_loop3A_95 = tpu.vector_load %arg8[%parallel_loop3A_93, %parallel_loop3A_94] {strides = array<i32>} : memref<32x1024xf32, #tpu.memory_space<vmem>>, vector<1x16xf32>,
      %parallel_loop3A_96 = vector.shape_cast %parallel_loop3A_95 : vector<1x16xf32> to vector<16xf32>
      %parallel_loop3A_97 = vector.shape_cast %parallel_loop3A_92 : vector<16xf32> to vector<1x16xf32>
      tpu.vector_store %arg8[%parallel_loop3A_93, %parallel_loop3A_94], %parallel_loop3A_97 {strides = array<i32>} : memref<32x1024xf32, #tpu.memory_space<vmem>>, vector<1x16xf32>,
    } {sc.loop_unroll_factor = 16 : i64, sc.parallel_access}
    "tpu.region"() ({
      %run_scoped3A = tpu.sem_alloc : memref<!tpu.dma_semaphore, #tpu.memory_space<semaphore_mem>>
      %dma_start3A_76 = arith.constant 0 : i32
      %dma_start3A_77 = tpu.memref_slice %arg5[%add3A_4, %dma_start3A_76] : memref<4096x1024xf32, #tpu.memory_space<hbm>> -> memref<32x1024xf32, #tpu.memory_space<hbm>>
      %dma_start3A_78 = arith.constant 0 : i32
      %dma_start3A_79 = tpu.memref_slice %arg5[%add3A_4, %dma_start3A_78] : memref<4096x1024xf32, #tpu.memory_space<hbm>> -> memref<32x1024xf32, #tpu.memory_space<hbm>>
      tpu.enqueue_dma source(%arg8 : memref<32x1024xf32, #tpu.memory_space<vmem>>) target(%dma_start3A_79 : memref<32x1024xf32, #tpu.memory_space<hbm>>) target_semaphore(%run_scoped3A : memref<!tpu.dma_semaphore, #tpu.memory_space<semaphore_mem>>)
      %dma_wait3A_80 = arith.constant 0 : i32
      %dma_wait3A_81 = tpu.memref_slice %arg5[%add3A_4, %dma_wait3A_80] : memref<4096x1024xf32, #tpu.memory_space<hbm>> -> memref<32x1024xf32, #tpu.memory_space<hbm>>
      %dma_wait3A_82 = arith.constant 0 : i32
      %dma_wait3A_83 = tpu.memref_slice %arg5[%add3A_4, %dma_wait3A_82] : memref<4096x1024xf32, #tpu.memory_space<hbm>> -> memref<32x1024xf32, #tpu.memory_space<hbm>>
      tpu.wait_dma2 semaphore(%run_scoped3A : memref<!tpu.dma_semaphore, #tpu.memory_space<semaphore_mem>>) src(%arg8 : memref<32x1024xf32, #tpu.memory_space<vmem>>) dst(%dma_wait3A_83 : memref<32x1024xf32, #tpu.memory_space<hbm>>)
      tpu.yield
    }) : () -> ()
    %add3A_19 = arith.constant 32 : i32
    %add3A_20 = arith.addi %mul3A_2, %add3A_19 : i32
    "tpu.region"() ({
      %run_scoped3A = tpu.sem_alloc : memref<!tpu.dma_semaphore, #tpu.memory_space<semaphore_mem>>
      %dma_start3A_76 = tpu.memref_slice %arg4[%add3A_20] : memref<4096xi32, #tpu.memory_space<hbm>> -> memref<32xi32, #tpu.memory_space<hbm>>
      %dma_start3A_77 = tpu.memref_slice %arg4[%add3A_20] : memref<4096xi32, #tpu.memory_space<hbm>> -> memref<32xi32, #tpu.memory_space<hbm>>
      tpu.enqueue_dma source(%dma_start3A_77 : memref<32xi32, #tpu.memory_space<hbm>>) target(%arg6 : memref<32xi32, #tpu.memory_space<vmem>>) target_semaphore(%run_scoped3A : memref<!tpu.dma_semaphore, #tpu.memory_space<semaphore_mem>>)
      %dma_wait3A_78 = tpu.memref_slice %arg4[%add3A_20] : memref<4096xi32, #tpu.memory_space<hbm>> -> memref<32xi32, #tpu.memory_space<hbm>>
      %dma_wait3A_79 = tpu.memref_slice %arg4[%add3A_20] : memref<4096xi32, #tpu.memory_space<hbm>> -> memref<32xi32, #tpu.memory_space<hbm>>
      tpu.wait_dma2 semaphore(%run_scoped3A : memref<!tpu.dma_semaphore, #tpu.memory_space<semaphore_mem>>) src(%dma_wait3A_79 : memref<32xi32, #tpu.memory_space<hbm>>) dst(%arg6 : memref<32xi32, #tpu.memory_space<vmem>>)
      tpu.yield
    }) : () -> ()
    %dma_start3A_21 = arith.constant 0 : i32
    %dma_start3A_22 = tpu.memref_slice %arg3[%add3A_20, %dma_start3A_21] : memref<4096x1024xf32, #tpu.memory_space<hbm>> -> memref<32x1024xf32, #tpu.memory_space<hbm>>
    %dma_start3A_23 = arith.constant 0 : i32
    %dma_start3A_24 = tpu.memref_slice %arg3[%add3A_20, %dma_start3A_23] : memref<4096x1024xf32, #tpu.memory_space<hbm>> -> memref<32x1024xf32, #tpu.memory_space<hbm>>
    tpu.enqueue_dma source(%dma_start3A_24 : memref<32x1024xf32, #tpu.memory_space<hbm>>) target(%arg8 : memref<32x1024xf32, #tpu.memory_space<vmem>>) target_semaphore(%arg10 : memref<!tpu.dma_semaphore, #tpu.memory_space<semaphore_mem>>)
    %dma_start3A_25 = arith.constant 0 : i32
    %dma_start3A_26 = arith.constant 0 : i32
    %dma_start3A_27 = tpu.memref_slice %arg2[%dma_start3A_25, %dma_start3A_26] : memref<8448x1024xf32, #tpu.memory_space<hbm>> -> memref<8448x1024xf32, #tpu.memory_space<hbm>>
    tpu.enqueue_indirect_dma source(%dma_start3A_27 : memref<8448x1024xf32, #tpu.memory_space<hbm>>) target(%arg7 : memref<32x1024xf32, #tpu.memory_space<vmem>>) offsets(%arg6 : memref<32xi32, #tpu.memory_space<vmem>>) semaphore(%arg9 : memref<!tpu.dma_semaphore, #tpu.memory_space<semaphore_mem>>)
    %dma_wait3A_28 = arith.constant 0 : i32
    %dma_wait3A_29 = arith.constant 0 : i32
    %dma_wait3A_30 = tpu.memref_slice %arg2[%dma_wait3A_28, %dma_wait3A_29] : memref<8448x1024xf32, #tpu.memory_space<hbm>> -> memref<8448x1024xf32, #tpu.memory_space<hbm>>
    tpu.wait_indirect_dma semaphore(%arg9 : memref<!tpu.dma_semaphore, #tpu.memory_space<semaphore_mem>>) src(%dma_wait3A_30 : memref<8448x1024xf32, #tpu.memory_space<hbm>>) dst(%arg7 : memref<32x1024xf32, #tpu.memory_space<vmem>>)
    %dma_wait3A_31 = arith.constant 0 : i32
    %dma_wait3A_32 = tpu.memref_slice %arg3[%add3A_20, %dma_wait3A_31] : memref<4096x1024xf32, #tpu.memory_space<hbm>> -> memref<32x1024xf32, #tpu.memory_space<hbm>>
    %dma_wait3A_33 = arith.constant 0 : i32
    %dma_wait3A_34 = tpu.memref_slice %arg3[%add3A_20, %dma_wait3A_33] : memref<4096x1024xf32, #tpu.memory_space<hbm>> -> memref<32x1024xf32, #tpu.memory_space<hbm>>
    tpu.wait_dma2 semaphore(%arg10 : memref<!tpu.dma_semaphore, #tpu.memory_space<semaphore_mem>>) src(%dma_wait3A_34 : memref<32x1024xf32, #tpu.memory_space<hbm>>) dst(%arg8 : memref<32x1024xf32, #tpu.memory_space<vmem>>)
    %parallel_loop3A_35 = arith.constant 0 : i32
    %parallel_loop3A_36 = arith.constant 2048 : i32
    %parallel_loop3A_37 = arith.constant 1 : i32
    scf.for %parallel_loop3A_76 = %parallel_loop3A_35 to %parallel_loop3A_36 step %parallel_loop3A_37  : i32 {
      %parallel_loop3A_77 = arith.constant 6 : i32
      %parallel_loop3A_78 = arith.shrui %parallel_loop3A_76, %parallel_loop3A_77 : i32
      %parallel_loop3A_79 = arith.constant 63 : i32
      %parallel_loop3A_80 = arith.andi %parallel_loop3A_76, %parallel_loop3A_79 : i32
      %parallel_loop3A_81 = arith.constant 4 : i32
      %parallel_loop3A_82 = arith.shli %parallel_loop3A_80, %parallel_loop3A_81 : i32
      %parallel_loop3A_83 = tpu.assume_multiple %parallel_loop3A_82, 16 : i32
      %parallel_loop3A_84 = arith.index_cast %parallel_loop3A_78 : i32 to index
      %parallel_loop3A_85 = arith.index_cast %parallel_loop3A_83 : i32 to index
      %parallel_loop3A_86 = tpu.vector_load %arg8[%parallel_loop3A_84, %parallel_loop3A_85] {strides = array<i32>} : memref<32x1024xf32, #tpu.memory_space<vmem>>, vector<1x16xf32>,
      %parallel_loop3A_87 = vector.shape_cast %parallel_loop3A_86 : vector<1x16xf32> to vector<16xf32>
      %parallel_loop3A_88 = arith.index_cast %parallel_loop3A_78 : i32 to index
      %parallel_loop3A_89 = arith.index_cast %parallel_loop3A_83 : i32 to index
      %parallel_loop3A_90 = tpu.vector_load %arg7[%parallel_loop3A_88, %parallel_loop3A_89] {strides = array<i32>} : memref<32x1024xf32, #tpu.memory_space<vmem>>, vector<1x16xf32>,
      %parallel_loop3A_91 = vector.shape_cast %parallel_loop3A_90 : vector<1x16xf32> to vector<16xf32>
      %parallel_loop3A_92 = arith.addf %parallel_loop3A_87, %parallel_loop3A_91 : vector<16xf32>
      %parallel_loop3A_93 = arith.index_cast %parallel_loop3A_78 : i32 to index
      %parallel_loop3A_94 = arith.index_cast %parallel_loop3A_83 : i32 to index
      %parallel_loop3A_95 = tpu.vector_load %arg8[%parallel_loop3A_93, %parallel_loop3A_94] {strides = array<i32>} : memref<32x1024xf32, #tpu.memory_space<vmem>>, vector<1x16xf32>,
      %parallel_loop3A_96 = vector.shape_cast %parallel_loop3A_95 : vector<1x16xf32> to vector<16xf32>
      %parallel_loop3A_97 = vector.shape_cast %parallel_loop3A_92 : vector<16xf32> to vector<1x16xf32>
      tpu.vector_store %arg8[%parallel_loop3A_93, %parallel_loop3A_94], %parallel_loop3A_97 {strides = array<i32>} : memref<32x1024xf32, #tpu.memory_space<vmem>>, vector<1x16xf32>,
    } {sc.loop_unroll_factor = 16 : i64, sc.parallel_access}
    "tpu.region"() ({
      %run_scoped3A = tpu.sem_alloc : memref<!tpu.dma_semaphore, #tpu.memory_space<semaphore_mem>>
      %dma_start3A_76 = arith.constant 0 : i32
      %dma_start3A_77 = tpu.memref_slice %arg5[%add3A_20, %dma_start3A_76] : memref<4096x1024xf32, #tpu.memory_space<hbm>> -> memref<32x1024xf32, #tpu.memory_space<hbm>>
      %dma_start3A_78 = arith.constant 0 : i32
      %dma_start3A_79 = tpu.memref_slice %arg5[%add3A_20, %dma_start3A_78] : memref<4096x1024xf32, #tpu.memory_space<hbm>> -> memref<32x1024xf32, #tpu.memory_space<hbm>>
      tpu.enqueue_dma source(%arg8 : memref<32x1024xf32, #tpu.memory_space<vmem>>) target(%dma_start3A_79 : memref<32x1024xf32, #tpu.memory_space<hbm>>) target_semaphore(%run_scoped3A : memref<!tpu.dma_semaphore, #tpu.memory_space<semaphore_mem>>)
      %dma_wait3A_80 = arith.constant 0 : i32
      %dma_wait3A_81 = tpu.memref_slice %arg5[%add3A_20, %dma_wait3A_80] : memref<4096x1024xf32, #tpu.memory_space<hbm>> -> memref<32x1024xf32, #tpu.memory_space<hbm>>
      %dma_wait3A_82 = arith.constant 0 : i32
      %dma_wait3A_83 = tpu.memref_slice %arg5[%add3A_20, %dma_wait3A_82] : memref<4096x1024xf32, #tpu.memory_space<hbm>> -> memref<32x1024xf32, #tpu.memory_space<hbm>>
      tpu.wait_dma2 semaphore(%run_scoped3A : memref<!tpu.dma_semaphore, #tpu.memory_space<semaphore_mem>>) src(%arg8 : memref<32x1024xf32, #tpu.memory_space<vmem>>) dst(%dma_wait3A_83 : memref<32x1024xf32, #tpu.memory_space<hbm>>)
      tpu.yield
    }) : () -> ()
    %add3A_38 = arith.constant 64 : i32
    %add3A_39 = arith.addi %mul3A_2, %add3A_38 : i32
    "tpu.region"() ({
      %run_scoped3A = tpu.sem_alloc : memref<!tpu.dma_semaphore, #tpu.memory_space<semaphore_mem>>
      %dma_start3A_76 = tpu.memref_slice %arg4[%add3A_39] : memref<4096xi32, #tpu.memory_space<hbm>> -> memref<32xi32, #tpu.memory_space<hbm>>
      %dma_start3A_77 = tpu.memref_slice %arg4[%add3A_39] : memref<4096xi32, #tpu.memory_space<hbm>> -> memref<32xi32, #tpu.memory_space<hbm>>
      tpu.enqueue_dma source(%dma_start3A_77 : memref<32xi32, #tpu.memory_space<hbm>>) target(%arg6 : memref<32xi32, #tpu.memory_space<vmem>>) target_semaphore(%run_scoped3A : memref<!tpu.dma_semaphore, #tpu.memory_space<semaphore_mem>>)
      %dma_wait3A_78 = tpu.memref_slice %arg4[%add3A_39] : memref<4096xi32, #tpu.memory_space<hbm>> -> memref<32xi32, #tpu.memory_space<hbm>>
      %dma_wait3A_79 = tpu.memref_slice %arg4[%add3A_39] : memref<4096xi32, #tpu.memory_space<hbm>> -> memref<32xi32, #tpu.memory_space<hbm>>
      tpu.wait_dma2 semaphore(%run_scoped3A : memref<!tpu.dma_semaphore, #tpu.memory_space<semaphore_mem>>) src(%dma_wait3A_79 : memref<32xi32, #tpu.memory_space<hbm>>) dst(%arg6 : memref<32xi32, #tpu.memory_space<vmem>>)
      tpu.yield
    }) : () -> ()
    %dma_start3A_40 = arith.constant 0 : i32
    %dma_start3A_41 = tpu.memref_slice %arg3[%add3A_39, %dma_start3A_40] : memref<4096x1024xf32, #tpu.memory_space<hbm>> -> memref<32x1024xf32, #tpu.memory_space<hbm>>
    %dma_start3A_42 = arith.constant 0 : i32
    %dma_start3A_43 = tpu.memref_slice %arg3[%add3A_39, %dma_start3A_42] : memref<4096x1024xf32, #tpu.memory_space<hbm>> -> memref<32x1024xf32, #tpu.memory_space<hbm>>
    tpu.enqueue_dma source(%dma_start3A_43 : memref<32x1024xf32, #tpu.memory_space<hbm>>) target(%arg8 : memref<32x1024xf32, #tpu.memory_space<vmem>>) target_semaphore(%arg10 : memref<!tpu.dma_semaphore, #tpu.memory_space<semaphore_mem>>)
    %dma_start3A_44 = arith.constant 0 : i32
    %dma_start3A_45 = arith.constant 0 : i32
    %dma_start3A_46 = tpu.memref_slice %arg2[%dma_start3A_44, %dma_start3A_45] : memref<8448x1024xf32, #tpu.memory_space<hbm>> -> memref<8448x1024xf32, #tpu.memory_space<hbm>>
    tpu.enqueue_indirect_dma source(%dma_start3A_46 : memref<8448x1024xf32, #tpu.memory_space<hbm>>) target(%arg7 : memref<32x1024xf32, #tpu.memory_space<vmem>>) offsets(%arg6 : memref<32xi32, #tpu.memory_space<vmem>>) semaphore(%arg9 : memref<!tpu.dma_semaphore, #tpu.memory_space<semaphore_mem>>)
    %dma_wait3A_47 = arith.constant 0 : i32
    %dma_wait3A_48 = arith.constant 0 : i32
    %dma_wait3A_49 = tpu.memref_slice %arg2[%dma_wait3A_47, %dma_wait3A_48] : memref<8448x1024xf32, #tpu.memory_space<hbm>> -> memref<8448x1024xf32, #tpu.memory_space<hbm>>
    tpu.wait_indirect_dma semaphore(%arg9 : memref<!tpu.dma_semaphore, #tpu.memory_space<semaphore_mem>>) src(%dma_wait3A_49 : memref<8448x1024xf32, #tpu.memory_space<hbm>>) dst(%arg7 : memref<32x1024xf32, #tpu.memory_space<vmem>>)
    %dma_wait3A_50 = arith.constant 0 : i32
    %dma_wait3A_51 = tpu.memref_slice %arg3[%add3A_39, %dma_wait3A_50] : memref<4096x1024xf32, #tpu.memory_space<hbm>> -> memref<32x1024xf32, #tpu.memory_space<hbm>>
    %dma_wait3A_52 = arith.constant 0 : i32
    %dma_wait3A_53 = tpu.memref_slice %arg3[%add3A_39, %dma_wait3A_52] : memref<4096x1024xf32, #tpu.memory_space<hbm>> -> memref<32x1024xf32, #tpu.memory_space<hbm>>
    tpu.wait_dma2 semaphore(%arg10 : memref<!tpu.dma_semaphore, #tpu.memory_space<semaphore_mem>>) src(%dma_wait3A_53 : memref<32x1024xf32, #tpu.memory_space<hbm>>) dst(%arg8 : memref<32x1024xf32, #tpu.memory_space<vmem>>)
    %parallel_loop3A_54 = arith.constant 0 : i32
    %parallel_loop3A_55 = arith.constant 2048 : i32
    %parallel_loop3A_56 = arith.constant 1 : i32
    scf.for %parallel_loop3A_76 = %parallel_loop3A_54 to %parallel_loop3A_55 step %parallel_loop3A_56  : i32 {
      %parallel_loop3A_77 = arith.constant 6 : i32
      %parallel_loop3A_78 = arith.shrui %parallel_loop3A_76, %parallel_loop3A_77 : i32
      %parallel_loop3A_79 = arith.constant 63 : i32
      %parallel_loop3A_80 = arith.andi %parallel_loop3A_76, %parallel_loop3A_79 : i32
      %parallel_loop3A_81 = arith.constant 4 : i32
      %parallel_loop3A_82 = arith.shli %parallel_loop3A_80, %parallel_loop3A_81 : i32
      %parallel_loop3A_83 = tpu.assume_multiple %parallel_loop3A_82, 16 : i32
      %parallel_loop3A_84 = arith.index_cast %parallel_loop3A_78 : i32 to index
      %parallel_loop3A_85 = arith.index_cast %parallel_loop3A_83 : i32 to index
      %parallel_loop3A_86 = tpu.vector_load %arg8[%parallel_loop3A_84, %parallel_loop3A_85] {strides = array<i32>} : memref<32x1024xf32, #tpu.memory_space<vmem>>, vector<1x16xf32>,
      %parallel_loop3A_87 = vector.shape_cast %parallel_loop3A_86 : vector<1x16xf32> to vector<16xf32>
      %parallel_loop3A_88 = arith.index_cast %parallel_loop3A_78 : i32 to index
      %parallel_loop3A_89 = arith.index_cast %parallel_loop3A_83 : i32 to index
      %parallel_loop3A_90 = tpu.vector_load %arg7[%parallel_loop3A_88, %parallel_loop3A_89] {strides = array<i32>} : memref<32x1024xf32, #tpu.memory_space<vmem>>, vector<1x16xf32>,
      %parallel_loop3A_91 = vector.shape_cast %parallel_loop3A_90 : vector<1x16xf32> to vector<16xf32>
      %parallel_loop3A_92 = arith.addf %parallel_loop3A_87, %parallel_loop3A_91 : vector<16xf32>
      %parallel_loop3A_93 = arith.index_cast %parallel_loop3A_78 : i32 to index
      %parallel_loop3A_94 = arith.index_cast %parallel_loop3A_83 : i32 to index
      %parallel_loop3A_95 = tpu.vector_load %arg8[%parallel_loop3A_93, %parallel_loop3A_94] {strides = array<i32>} : memref<32x1024xf32, #tpu.memory_space<vmem>>, vector<1x16xf32>,
      %parallel_loop3A_96 = vector.shape_cast %parallel_loop3A_95 : vector<1x16xf32> to vector<16xf32>
      %parallel_loop3A_97 = vector.shape_cast %parallel_loop3A_92 : vector<16xf32> to vector<1x16xf32>
      tpu.vector_store %arg8[%parallel_loop3A_93, %parallel_loop3A_94], %parallel_loop3A_97 {strides = array<i32>} : memref<32x1024xf32, #tpu.memory_space<vmem>>, vector<1x16xf32>,
    } {sc.loop_unroll_factor = 16 : i64, sc.parallel_access}
    "tpu.region"() ({
      %run_scoped3A = tpu.sem_alloc : memref<!tpu.dma_semaphore, #tpu.memory_space<semaphore_mem>>
      %dma_start3A_76 = arith.constant 0 : i32
      %dma_start3A_77 = tpu.memref_slice %arg5[%add3A_39, %dma_start3A_76] : memref<4096x1024xf32, #tpu.memory_space<hbm>> -> memref<32x1024xf32, #tpu.memory_space<hbm>>
      %dma_start3A_78 = arith.constant 0 : i32
      %dma_start3A_79 = tpu.memref_slice %arg5[%add3A_39, %dma_start3A_78] : memref<4096x1024xf32, #tpu.memory_space<hbm>> -> memref<32x1024xf32, #tpu.memory_space<hbm>>
      tpu.enqueue_dma source(%arg8 : memref<32x1024xf32, #tpu.memory_space<vmem>>) target(%dma_start3A_79 : memref<32x1024xf32, #tpu.memory_space<hbm>>) target_semaphore(%run_scoped3A : memref<!tpu.dma_semaphore, #tpu.memory_space<semaphore_mem>>)
      %dma_wait3A_80 = arith.constant 0 : i32
      %dma_wait3A_81 = tpu.memref_slice %arg5[%add3A_39, %dma_wait3A_80] : memref<4096x1024xf32, #tpu.memory_space<hbm>> -> memref<32x1024xf32, #tpu.memory_space<hbm>>
      %dma_wait3A_82 = arith.constant 0 : i32
      %dma_wait3A_83 = tpu.memref_slice %arg5[%add3A_39, %dma_wait3A_82] : memref<4096x1024xf32, #tpu.memory_space<hbm>> -> memref<32x1024xf32, #tpu.memory_space<hbm>>
      tpu.wait_dma2 semaphore(%run_scoped3A : memref<!tpu.dma_semaphore, #tpu.memory_space<semaphore_mem>>) src(%arg8 : memref<32x1024xf32, #tpu.memory_space<vmem>>) dst(%dma_wait3A_83 : memref<32x1024xf32, #tpu.memory_space<hbm>>)
      tpu.yield
    }) : () -> ()
    %add3A_57 = arith.constant 96 : i32
    %add3A_58 = arith.addi %mul3A_2, %add3A_57 : i32
    "tpu.region"() ({
      %run_scoped3A = tpu.sem_alloc : memref<!tpu.dma_semaphore, #tpu.memory_space<semaphore_mem>>
      %dma_start3A_76 = tpu.memref_slice %arg4[%add3A_58] : memref<4096xi32, #tpu.memory_space<hbm>> -> memref<32xi32, #tpu.memory_space<hbm>>
      %dma_start3A_77 = tpu.memref_slice %arg4[%add3A_58] : memref<4096xi32, #tpu.memory_space<hbm>> -> memref<32xi32, #tpu.memory_space<hbm>>
      tpu.enqueue_dma source(%dma_start3A_77 : memref<32xi32, #tpu.memory_space<hbm>>) target(%arg6 : memref<32xi32, #tpu.memory_space<vmem>>) target_semaphore(%run_scoped3A : memref<!tpu.dma_semaphore, #tpu.memory_space<semaphore_mem>>)
      %dma_wait3A_78 = tpu.memref_slice %arg4[%add3A_58] : memref<4096xi32, #tpu.memory_space<hbm>> -> memref<32xi32, #tpu.memory_space<hbm>>
      %dma_wait3A_79 = tpu.memref_slice %arg4[%add3A_58] : memref<4096xi32, #tpu.memory_space<hbm>> -> memref<32xi32, #tpu.memory_space<hbm>>
      tpu.wait_dma2 semaphore(%run_scoped3A : memref<!tpu.dma_semaphore, #tpu.memory_space<semaphore_mem>>) src(%dma_wait3A_79 : memref<32xi32, #tpu.memory_space<hbm>>) dst(%arg6 : memref<32xi32, #tpu.memory_space<vmem>>)
      tpu.yield
    }) : () -> ()
    %dma_start3A_59 = arith.constant 0 : i32
    %dma_start3A_60 = tpu.memref_slice %arg3[%add3A_58, %dma_start3A_59] : memref<4096x1024xf32, #tpu.memory_space<hbm>> -> memref<32x1024xf32, #tpu.memory_space<hbm>>
    %dma_start3A_61 = arith.constant 0 : i32
    %dma_start3A_62 = tpu.memref_slice %arg3[%add3A_58, %dma_start3A_61] : memref<4096x1024xf32, #tpu.memory_space<hbm>> -> memref<32x1024xf32, #tpu.memory_space<hbm>>
    tpu.enqueue_dma source(%dma_start3A_62 : memref<32x1024xf32, #tpu.memory_space<hbm>>) target(%arg8 : memref<32x1024xf32, #tpu.memory_space<vmem>>) target_semaphore(%arg10 : memref<!tpu.dma_semaphore, #tpu.memory_space<semaphore_mem>>)
    %dma_start3A_63 = arith.constant 0 : i32
    %dma_start3A_64 = arith.constant 0 : i32
    %dma_start3A_65 = tpu.memref_slice %arg2[%dma_start3A_63, %dma_start3A_64] : memref<8448x1024xf32, #tpu.memory_space<hbm>> -> memref<8448x1024xf32, #tpu.memory_space<hbm>>
    tpu.enqueue_indirect_dma source(%dma_start3A_65 : memref<8448x1024xf32, #tpu.memory_space<hbm>>) target(%arg7 : memref<32x1024xf32, #tpu.memory_space<vmem>>) offsets(%arg6 : memref<32xi32, #tpu.memory_space<vmem>>) semaphore(%arg9 : memref<!tpu.dma_semaphore, #tpu.memory_space<semaphore_mem>>)
    %dma_wait3A_66 = arith.constant 0 : i32
    %dma_wait3A_67 = arith.constant 0 : i32
    %dma_wait3A_68 = tpu.memref_slice %arg2[%dma_wait3A_66, %dma_wait3A_67] : memref<8448x1024xf32, #tpu.memory_space<hbm>> -> memref<8448x1024xf32, #tpu.memory_space<hbm>>
    tpu.wait_indirect_dma semaphore(%arg9 : memref<!tpu.dma_semaphore, #tpu.memory_space<semaphore_mem>>) src(%dma_wait3A_68 : memref<8448x1024xf32, #tpu.memory_space<hbm>>) dst(%arg7 : memref<32x1024xf32, #tpu.memory_space<vmem>>)
    %dma_wait3A_69 = arith.constant 0 : i32
    %dma_wait3A_70 = tpu.memref_slice %arg3[%add3A_58, %dma_wait3A_69] : memref<4096x1024xf32, #tpu.memory_space<hbm>> -> memref<32x1024xf32, #tpu.memory_space<hbm>>
    %dma_wait3A_71 = arith.constant 0 : i32
    %dma_wait3A_72 = tpu.memref_slice %arg3[%add3A_58, %dma_wait3A_71] : memref<4096x1024xf32, #tpu.memory_space<hbm>> -> memref<32x1024xf32, #tpu.memory_space<hbm>>
    tpu.wait_dma2 semaphore(%arg10 : memref<!tpu.dma_semaphore, #tpu.memory_space<semaphore_mem>>) src(%dma_wait3A_72 : memref<32x1024xf32, #tpu.memory_space<hbm>>) dst(%arg8 : memref<32x1024xf32, #tpu.memory_space<vmem>>)
    %parallel_loop3A_73 = arith.constant 0 : i32
    %parallel_loop3A_74 = arith.constant 2048 : i32
    %parallel_loop3A_75 = arith.constant 1 : i32
    scf.for %parallel_loop3A_76 = %parallel_loop3A_73 to %parallel_loop3A_74 step %parallel_loop3A_75  : i32 {
      %parallel_loop3A_77 = arith.constant 6 : i32
      %parallel_loop3A_78 = arith.shrui %parallel_loop3A_76, %parallel_loop3A_77 : i32
      %parallel_loop3A_79 = arith.constant 63 : i32
      %parallel_loop3A_80 = arith.andi %parallel_loop3A_76, %parallel_loop3A_79 : i32
      %parallel_loop3A_81 = arith.constant 4 : i32
      %parallel_loop3A_82 = arith.shli %parallel_loop3A_80, %parallel_loop3A_81 : i32
      %parallel_loop3A_83 = tpu.assume_multiple %parallel_loop3A_82, 16 : i32
      %parallel_loop3A_84 = arith.index_cast %parallel_loop3A_78 : i32 to index
      %parallel_loop3A_85 = arith.index_cast %parallel_loop3A_83 : i32 to index
      %parallel_loop3A_86 = tpu.vector_load %arg8[%parallel_loop3A_84, %parallel_loop3A_85] {strides = array<i32>} : memref<32x1024xf32, #tpu.memory_space<vmem>>, vector<1x16xf32>,
      %parallel_loop3A_87 = vector.shape_cast %parallel_loop3A_86 : vector<1x16xf32> to vector<16xf32>
      %parallel_loop3A_88 = arith.index_cast %parallel_loop3A_78 : i32 to index
      %parallel_loop3A_89 = arith.index_cast %parallel_loop3A_83 : i32 to index
      %parallel_loop3A_90 = tpu.vector_load %arg7[%parallel_loop3A_88, %parallel_loop3A_89] {strides = array<i32>} : memref<32x1024xf32, #tpu.memory_space<vmem>>, vector<1x16xf32>,
      %parallel_loop3A_91 = vector.shape_cast %parallel_loop3A_90 : vector<1x16xf32> to vector<16xf32>
      %parallel_loop3A_92 = arith.addf %parallel_loop3A_87, %parallel_loop3A_91 : vector<16xf32>
      %parallel_loop3A_93 = arith.index_cast %parallel_loop3A_78 : i32 to index
      %parallel_loop3A_94 = arith.index_cast %parallel_loop3A_83 : i32 to index
      %parallel_loop3A_95 = tpu.vector_load %arg8[%parallel_loop3A_93, %parallel_loop3A_94] {strides = array<i32>} : memref<32x1024xf32, #tpu.memory_space<vmem>>, vector<1x16xf32>,
      %parallel_loop3A_96 = vector.shape_cast %parallel_loop3A_95 : vector<1x16xf32> to vector<16xf32>
      %parallel_loop3A_97 = vector.shape_cast %parallel_loop3A_92 : vector<16xf32> to vector<1x16xf32>
      tpu.vector_store %arg8[%parallel_loop3A_93, %parallel_loop3A_94], %parallel_loop3A_97 {strides = array<i32>} : memref<32x1024xf32, #tpu.memory_space<vmem>>, vector<1x16xf32>,
    } {sc.loop_unroll_factor = 16 : i64, sc.parallel_access}
    "tpu.region"() ({
      %run_scoped3A = tpu.sem_alloc : memref<!tpu.dma_semaphore, #tpu.memory_space<semaphore_mem>>
      %dma_start3A_76 = arith.constant 0 : i32
      %dma_start3A_77 = tpu.memref_slice %arg5[%add3A_58, %dma_start3A_76] : memref<4096x1024xf32, #tpu.memory_space<hbm>> -> memref<32x1024xf32, #tpu.memory_space<hbm>>
      %dma_start3A_78 = arith.constant 0 : i32
      %dma_start3A_79 = tpu.memref_slice %arg5[%add3A_58, %dma_start3A_78] : memref<4096x1024xf32, #tpu.memory_space<hbm>> -> memref<32x1024xf32, #tpu.memory_space<hbm>>
      tpu.enqueue_dma source(%arg8 : memref<32x1024xf32, #tpu.memory_space<vmem>>) target(%dma_start3A_79 : memref<32x1024xf32, #tpu.memory_space<hbm>>) target_semaphore(%run_scoped3A : memref<!tpu.dma_semaphore, #tpu.memory_space<semaphore_mem>>)
      %dma_wait3A_80 = arith.constant 0 : i32
      %dma_wait3A_81 = tpu.memref_slice %arg5[%add3A_58, %dma_wait3A_80] : memref<4096x1024xf32, #tpu.memory_space<hbm>> -> memref<32x1024xf32, #tpu.memory_space<hbm>>
      %dma_wait3A_82 = arith.constant 0 : i32
      %dma_wait3A_83 = tpu.memref_slice %arg5[%add3A_58, %dma_wait3A_82] : memref<4096x1024xf32, #tpu.memory_space<hbm>> -> memref<32x1024xf32, #tpu.memory_space<hbm>>
      tpu.wait_dma2 semaphore(%run_scoped3A : memref<!tpu.dma_semaphore, #tpu.memory_space<semaphore_mem>>) src(%arg8 : memref<32x1024xf32, #tpu.memory_space<vmem>>) dst(%dma_wait3A_83 : memref<32x1024xf32, #tpu.memory_space<hbm>>)
      tpu.yield
    }) : () -> ()
    return
  }
}

module attributes {stable_mosaic.version = 14 : i64} {
  func.func @_shared_body(%arg0: i32, %arg1: memref<512x1024xf32, #tpu.memory_space<vmem>>, %arg2: memref<1024x512xf32, #tpu.memory_space<vmem>>, %arg3: memref<1024x512xf32, #tpu.memory_space<vmem>>, %arg4: memref<512x1024xf32, #tpu.memory_space<vmem>>, %arg5: memref<512x1024xf32, #tpu.memory_space<vmem>>) attributes {dimension_semantics = [#tpu.dimension_semantics<arbitrary>], iteration_bounds = array<i64: 8>, scalar_prefetch = 0 : i64, scratch_operands = 0 : i64, tpu.core_type = #tpu.core_type<tc>, window_params = [{transform_indices = @transform_0, window_bounds = array<i64: 512, 1024>}, {pipeline_mode = #tpu.pipeline_mode<synchronous>, transform_indices = @transform_1, window_bounds = array<i64: 1024, 512>}, {pipeline_mode = #tpu.pipeline_mode<synchronous>, transform_indices = @transform_2, window_bounds = array<i64: 1024, 512>}, {pipeline_mode = #tpu.pipeline_mode<synchronous>, transform_indices = @transform_3, window_bounds = array<i64: 512, 1024>}, {transform_indices = @transform_4, window_bounds = array<i64: 512, 1024>}]} {
    %get3A = arith.constant 0 : index
    %get3A_0 = arith.constant 0 : index
    %get3A_1 = vector.load %arg1[%get3A, %get3A_0] : memref<512x1024xf32, #tpu.memory_space<vmem>>, vector<512x1024xf32>
    %get3A_2 = arith.constant 0 : index
    %get3A_3 = arith.constant 0 : index
    %get3A_4 = vector.load %arg2[%get3A_2, %get3A_3] : memref<1024x512xf32, #tpu.memory_space<vmem>>, vector<1024x512xf32>
    %dot_general3A = arith.constant dense<0.000000e+00> : vector<512x512xf32>
    %dot_general3A_5 = tpu.matmul %get3A_1, %get3A_4, %dot_general3A {dimension_numbers = #tpu.dot_dimension_numbers<[1], [0], [0], [1], [0, 0, 1, 1], [], []>, transpose_lhs_hint = false} : vector<512x1024xf32>, vector<1024x512xf32>, vector<512x512xf32> -> vector<512x512xf32>
    %get3A_6 = arith.constant 0 : index
    %get3A_7 = arith.constant 0 : index
    %get3A_8 = vector.load %arg3[%get3A_6, %get3A_7] : memref<1024x512xf32, #tpu.memory_space<vmem>>, vector<1024x512xf32>
    %dot_general3A_9 = arith.constant dense<0.000000e+00> : vector<512x512xf32>
    %dot_general3A_10 = tpu.matmul %get3A_1, %get3A_8, %dot_general3A_9 {dimension_numbers = #tpu.dot_dimension_numbers<[1], [0], [0], [1], [0, 0, 1, 1], [], []>, transpose_lhs_hint = false} : vector<512x1024xf32>, vector<1024x512xf32>, vector<512x512xf32> -> vector<512x512xf32>
    %neg3A = arith.constant 0.000000e+00 : f32
    %neg3A_11 = vector.broadcast %neg3A : f32 to vector<512x512xf32>
    %neg3A_12 = arith.subf %neg3A_11, %dot_general3A_5 : vector<512x512xf32>
    %exp3A = math.exp %neg3A_12 : vector<512x512xf32>
    %add3A = arith.constant 1.000000e+00 : f32
    %add3A_13 = vector.broadcast %add3A : f32 to vector<512x512xf32>
    %add3A_14 = arith.addf %add3A_13, %exp3A : vector<512x512xf32>
    %div3A = arith.divf %dot_general3A_5, %add3A_14 : vector<512x512xf32>
    %mul3A = arith.mulf %div3A, %dot_general3A_10 : vector<512x512xf32>
    %get3A_15 = arith.constant 0 : index
    %get3A_16 = arith.constant 0 : index
    %get3A_17 = vector.load %arg4[%get3A_15, %get3A_16] : memref<512x1024xf32, #tpu.memory_space<vmem>>, vector<512x1024xf32>
    %dot_general3A_18 = arith.constant dense<0.000000e+00> : vector<512x1024xf32>
    %dot_general3A_19 = tpu.matmul %mul3A, %get3A_17, %dot_general3A_18 {dimension_numbers = #tpu.dot_dimension_numbers<[1], [0], [0], [1], [0, 0, 1, 1], [], []>, transpose_lhs_hint = false} : vector<512x512xf32>, vector<512x1024xf32>, vector<512x1024xf32> -> vector<512x1024xf32>
    %swap3A = arith.constant 0 : index
    %swap3A_20 = arith.constant 0 : index
    %swap3A_21 = vector.load %arg5[%swap3A, %swap3A_20] : memref<512x1024xf32, #tpu.memory_space<vmem>>, vector<512x1024xf32>
    tpu.vector_store %arg5[%swap3A, %swap3A_20], %dot_general3A_19 {strides = array<i32>} : memref<512x1024xf32, #tpu.memory_space<vmem>>, vector<512x1024xf32>,
    return
  }
  func.func @transform_0(%arg0: i32) -> (i32, i32) {
    %c0_i32 = arith.constant 0 : i32
    %c0_i32_0 = arith.constant 0 : i32
    return %arg0, %c0_i32 : i32, i32
  }
  func.func @transform_1(%arg0: i32) -> (i32, i32) {
    %c0_i32 = arith.constant 0 : i32
    %c0_i32_0 = arith.constant 0 : i32
    %c0_i32_1 = arith.constant 0 : i32
    return %c0_i32, %c0_i32_0 : i32, i32
  }
  func.func @transform_2(%arg0: i32) -> (i32, i32) {
    %c0_i32 = arith.constant 0 : i32
    %c0_i32_0 = arith.constant 0 : i32
    %c0_i32_1 = arith.constant 0 : i32
    return %c0_i32, %c0_i32_0 : i32, i32
  }
  func.func @transform_3(%arg0: i32) -> (i32, i32) {
    %c0_i32 = arith.constant 0 : i32
    %c0_i32_0 = arith.constant 0 : i32
    %c0_i32_1 = arith.constant 0 : i32
    return %c0_i32, %c0_i32_0 : i32, i32
  }
  func.func @transform_4(%arg0: i32) -> (i32, i32) {
    %c0_i32 = arith.constant 0 : i32
    %c0_i32_0 = arith.constant 0 : i32
    return %arg0, %c0_i32 : i32, i32
  }
}

module attributes {stable_mosaic.version = 14 : i64} {
  func.func @_router_body(%arg0: i32, %arg1: memref<512x1024xf32, #tpu.memory_space<vmem>>, %arg2: memref<1024x64xf32, #tpu.memory_space<vmem>>, %arg3: memref<1x64xf32, #tpu.memory_space<vmem>>, %arg4: memref<512x1xi32, #tpu.memory_space<vmem>>, %arg5: memref<512x128xf32, #tpu.memory_space<vmem>>, %arg6: memref<512x1xi32, #tpu.memory_space<vmem>>, %arg7: memref<1x64xf32, #tpu.memory_space<vmem>>) attributes {dimension_semantics = [#tpu.dimension_semantics<arbitrary>], iteration_bounds = array<i64: 8>, scalar_prefetch = 0 : i64, scratch_operands = 1 : i64, tpu.core_type = #tpu.core_type<tc>, window_params = [{transform_indices = @transform_0, window_bounds = array<i64: 512, 1024>}, {pipeline_mode = #tpu.pipeline_mode<synchronous>, transform_indices = @transform_1, window_bounds = array<i64: 1024, 64>}, {pipeline_mode = #tpu.pipeline_mode<synchronous>, transform_indices = @transform_2, window_bounds = array<i64: 1, 64>}, {transform_indices = @transform_3, window_bounds = array<i64: 512, 1>}, {transform_indices = @transform_4, window_bounds = array<i64: 512, 128>}, {transform_indices = @transform_5, window_bounds = array<i64: 512, 1>}]} {
    %eq3A = arith.constant 0 : i32
    %eq3A_0 = arith.cmpi eq, %arg0, %eq3A : i32
    %convert_element_type3A = arith.extui %eq3A_0 : i1 to i32
    %cond3A = arith.constant 0 : i32
    %cond3A_1 = arith.cmpi ne, %convert_element_type3A, %cond3A : i32
    scf.if %cond3A_1 {
      %broadcast_in_dim3A_84 = arith.constant 0.000000e+00 : f32
      %broadcast_in_dim3A_85 = vector.broadcast %broadcast_in_dim3A_84 : f32 to vector<1x64xf32>
      %swap3A_86 = arith.constant 0 : index
      %swap3A_87 = arith.constant 0 : index
      %swap3A_88 = vector.load %arg7[%swap3A_86, %swap3A_87] : memref<1x64xf32, #tpu.memory_space<vmem>>, vector<1x64xf32>
      tpu.vector_store %arg7[%swap3A_86, %swap3A_87], %broadcast_in_dim3A_85 {strides = array<i32>} : memref<1x64xf32, #tpu.memory_space<vmem>>, vector<1x64xf32>,
    } else {
    }
    %get3A = arith.constant 0 : index
    %get3A_2 = arith.constant 0 : index
    %get3A_3 = vector.load %arg1[%get3A, %get3A_2] : memref<512x1024xf32, #tpu.memory_space<vmem>>, vector<512x1024xf32>
    %get3A_4 = arith.constant 0 : index
    %get3A_5 = arith.constant 0 : index
    %get3A_6 = vector.load %arg2[%get3A_4, %get3A_5] : memref<1024x64xf32, #tpu.memory_space<vmem>>, vector<1024x64xf32>
    %dot_general3A = arith.constant dense<0.000000e+00> : vector<512x64xf32>
    %dot_general3A_7 = tpu.matmul %get3A_3, %get3A_6, %dot_general3A {dimension_numbers = #tpu.dot_dimension_numbers<[1], [0], [0], [1], [0, 0, 1, 1], [], []>, transpose_lhs_hint = false} : vector<512x1024xf32>, vector<1024x64xf32>, vector<512x64xf32> -> vector<512x64xf32>
    %get3A_8 = arith.constant 0 : index
    %get3A_9 = arith.constant 0 : index
    %get3A_10 = vector.load %arg3[%get3A_8, %get3A_9] : memref<1x64xf32, #tpu.memory_space<vmem>>, vector<1x64xf32>
    %add3A = vector.broadcast %get3A_10 : vector<1x64xf32> to vector<512x64xf32>
    %add3A_11 = arith.addf %dot_general3A_7, %add3A : vector<512x64xf32>
    %reduce_max3A = arith.constant dense<0xFF800000> : vector<512xf32>
    %reduce_max3A_12 = vector.multi_reduction <maximumf>, %add3A_11, %reduce_max3A [1] : vector<512x64xf32> to vector<512xf32>
    %broadcast_in_dim3A = vector.shape_cast %reduce_max3A_12 : vector<512xf32> to vector<512x1xf32>
    %sub3A = vector.broadcast %broadcast_in_dim3A : vector<512x1xf32> to vector<512x64xf32>
    %sub3A_13 = arith.subf %add3A_11, %sub3A : vector<512x64xf32>
    %exp3A = math.exp %sub3A_13 : vector<512x64xf32>
    %reduce_sum3A = arith.constant dense<0.000000e+00> : vector<512xf32>
    %reduce_sum3A_14 = vector.multi_reduction <add>, %exp3A, %reduce_sum3A [1] : vector<512x64xf32> to vector<512xf32>
    %broadcast_in_dim3A_15 = vector.shape_cast %reduce_sum3A_14 : vector<512xf32> to vector<512x1xf32>
    %div3A = arith.constant 1.000000e+00 : f32
    %div3A_16 = vector.broadcast %div3A : f32 to vector<512x1xf32>
    %div3A_17 = arith.divf %div3A_16, %broadcast_in_dim3A_15 : vector<512x1xf32>
    %add3A_18 = arith.constant 9.99999971E-10 : f32
    %add3A_19 = vector.broadcast %add3A_18 : f32 to vector<512x1xf32>
    %add3A_20 = arith.addf %div3A_17, %add3A_19 : vector<512x1xf32>
    %div3A_21 = arith.divf %div3A_17, %add3A_20 : vector<512x1xf32>
    %iota3A = tpu.iota {dimensions = array<i32: 1>} : vector<512x64xi32>
    %convert_element_type3A_22 = arith.sitofp %iota3A : vector<512x64xi32> to vector<512x64xf32>
    %eq3A_23 = vector.broadcast %broadcast_in_dim3A : vector<512x1xf32> to vector<512x64xf32>
    %eq3A_24 = arith.cmpf oeq, %add3A_11, %eq3A_23 : vector<512x64xf32>
    %jit3A = arith.constant 6.400000e+01 : f32
    %broadcast_in_dim3A_25 = vector.broadcast %jit3A : f32 to vector<512x64xf32>
    %select_n3A = arith.select %eq3A_24, %convert_element_type3A_22, %broadcast_in_dim3A_25 : vector<512x64xi1>, vector<512x64xf32>
    %reduce_min3A = arith.constant dense<0x7F800000> : vector<512xf32>
    %reduce_min3A_26 = vector.multi_reduction <minimumf>, %select_n3A, %reduce_min3A [1] : vector<512x64xf32> to vector<512xf32>
    %broadcast_in_dim3A_27 = vector.shape_cast %reduce_min3A_26 : vector<512xf32> to vector<512x1xf32>
    %eq3A_28 = vector.broadcast %broadcast_in_dim3A_27 : vector<512x1xf32> to vector<512x64xf32>
    %eq3A_29 = arith.cmpf oeq, %convert_element_type3A_22, %eq3A_28 : vector<512x64xf32>
    %convert_element_type3A_30 = arith.extui %eq3A_29 : vector<512x64xi1> to vector<512x64xi32>
    %convert_element_type3A_31 = arith.sitofp %convert_element_type3A_30 : vector<512x64xi32> to vector<512x64xf32>
    %iota3A_32 = tpu.iota {dimensions = array<i32: 0>} : vector<512x512xi32>
    %iota3A_33 = tpu.iota {dimensions = array<i32: 1>} : vector<512x512xi32>
    %ge3A = arith.cmpi sge, %iota3A_32, %iota3A_33 : vector<512x512xi32>
    %convert_element_type3A_34 = arith.extui %ge3A : vector<512x512xi1> to vector<512x512xi32>
    %convert_element_type3A_35 = arith.sitofp %convert_element_type3A_34 : vector<512x512xi32> to vector<512x512xf32>
    %dot_general3A_36 = arith.constant dense<0.000000e+00> : vector<512x64xf32>
    %dot_general3A_37 = tpu.matmul %convert_element_type3A_35, %convert_element_type3A_31, %dot_general3A_36 {dimension_numbers = #tpu.dot_dimension_numbers<[1], [0], [0], [1], [0, 0, 1, 1], [], []>, transpose_lhs_hint = false} : vector<512x512xf32>, vector<512x64xf32>, vector<512x64xf32> -> vector<512x64xf32>
    %mul3A = arith.mulf %dot_general3A_37, %convert_element_type3A_31 : vector<512x64xf32>
    %reduce_sum3A_38 = arith.constant dense<0.000000e+00> : vector<512xf32>
    %reduce_sum3A_39 = vector.multi_reduction <add>, %mul3A, %reduce_sum3A_38 [1] : vector<512x64xf32> to vector<512xf32>
    %broadcast_in_dim3A_40 = vector.shape_cast %reduce_sum3A_39 : vector<512xf32> to vector<512x1xf32>
    %get3A_41 = arith.constant 0 : index
    %get3A_42 = arith.constant 0 : index
    %get3A_43 = vector.load %arg7[%get3A_41, %get3A_42] : memref<1x64xf32, #tpu.memory_space<vmem>>, vector<1x64xf32>
    %mul3A_44 = vector.broadcast %get3A_43 : vector<1x64xf32> to vector<512x64xf32>
    %mul3A_45 = arith.mulf %mul3A_44, %convert_element_type3A_31 : vector<512x64xf32>
    %reduce_sum3A_46 = arith.constant dense<0.000000e+00> : vector<512xf32>
    %reduce_sum3A_47 = vector.multi_reduction <add>, %mul3A_45, %reduce_sum3A_46 [1] : vector<512x64xf32> to vector<512xf32>
    %broadcast_in_dim3A_48 = vector.shape_cast %reduce_sum3A_47 : vector<512xf32> to vector<512x1xf32>
    %add3A_49 = arith.addf %broadcast_in_dim3A_48, %broadcast_in_dim3A_40 : vector<512x1xf32>
    %sub3A_50 = arith.constant 1.000000e+00 : f32
    %sub3A_51 = vector.broadcast %sub3A_50 : f32 to vector<512x1xf32>
    %sub3A_52 = arith.subf %add3A_49, %sub3A_51 : vector<512x1xf32>
    %get3A_53 = arith.constant 0 : index
    %get3A_54 = arith.constant 0 : index
    %get3A_55 = vector.load %arg7[%get3A_53, %get3A_54] : memref<1x64xf32, #tpu.memory_space<vmem>>, vector<1x64xf32>
    %reduce_sum3A_56 = arith.constant dense<0.000000e+00> : vector<64xf32>
    %reduce_sum3A_57 = vector.multi_reduction <add>, %convert_element_type3A_31, %reduce_sum3A_56 [0] : vector<512x64xf32> to vector<64xf32>
    %broadcast_in_dim3A_58 = vector.shape_cast %reduce_sum3A_57 : vector<64xf32> to vector<1x64xf32>
    %add3A_59 = arith.addf %get3A_55, %broadcast_in_dim3A_58 : vector<1x64xf32>
    %swap3A = arith.constant 0 : index
    %swap3A_60 = arith.constant 0 : index
    %swap3A_61 = vector.load %arg7[%swap3A, %swap3A_60] : memref<1x64xf32, #tpu.memory_space<vmem>>, vector<1x64xf32>
    tpu.vector_store %arg7[%swap3A, %swap3A_60], %add3A_59 {strides = array<i32>} : memref<1x64xf32, #tpu.memory_space<vmem>>, vector<1x64xf32>,
    %lt3A = arith.constant 1.280000e+02 : f32
    %lt3A_62 = vector.broadcast %lt3A : f32 to vector<512x1xf32>
    %lt3A_63 = arith.cmpf olt, %sub3A_52, %lt3A_62 : vector<512x1xf32>
    %mul3A_64 = arith.constant 1.280000e+02 : f32
    %mul3A_65 = vector.broadcast %mul3A_64 : f32 to vector<512x1xf32>
    %mul3A_66 = arith.mulf %broadcast_in_dim3A_27, %mul3A_65 : vector<512x1xf32>
    %add3A_67 = arith.addf %mul3A_66, %sub3A_52 : vector<512x1xf32>
    %jit3A_68 = arith.constant 8.192000e+03 : f32
    %broadcast_in_dim3A_69 = vector.broadcast %jit3A_68 : f32 to vector<512x1xf32>
    %select_n3A_70 = arith.select %lt3A_63, %add3A_67, %broadcast_in_dim3A_69 : vector<512x1xi1>, vector<512x1xf32>
    %convert_element_type3A_71 = arith.fptosi %select_n3A_70 : vector<512x1xf32> to vector<512x1xi32>
    %swap3A_72 = arith.constant 0 : index
    %swap3A_73 = arith.constant 0 : index
    %swap3A_74 = vector.load %arg6[%swap3A_72, %swap3A_73] : memref<512x1xi32, #tpu.memory_space<vmem>>, vector<512x1xi32>
    tpu.vector_store %arg6[%swap3A_72, %swap3A_73], %convert_element_type3A_71 {strides = array<i32>} : memref<512x1xi32, #tpu.memory_space<vmem>>, vector<512x1xi32>,
    %convert_element_type3A_75 = arith.fptosi %broadcast_in_dim3A_27 : vector<512x1xf32> to vector<512x1xi32>
    %swap3A_76 = arith.constant 0 : index
    %swap3A_77 = arith.constant 0 : index
    %swap3A_78 = vector.load %arg4[%swap3A_76, %swap3A_77] : memref<512x1xi32, #tpu.memory_space<vmem>>, vector<512x1xi32>
    tpu.vector_store %arg4[%swap3A_76, %swap3A_77], %convert_element_type3A_75 {strides = array<i32>} : memref<512x1xi32, #tpu.memory_space<vmem>>, vector<512x1xi32>,
    %broadcast_in_dim3A_79 = vector.shape_cast %div3A_21 : vector<512x1xf32> to vector<512x1xf32>
    %broadcast_in_dim3A_80 = vector.broadcast %broadcast_in_dim3A_79 : vector<512x1xf32> to vector<512x128xf32>
    %swap3A_81 = arith.constant 0 : index
    %swap3A_82 = arith.constant 0 : index
    %swap3A_83 = vector.load %arg5[%swap3A_81, %swap3A_82] : memref<512x128xf32, #tpu.memory_space<vmem>>, vector<512x128xf32>
    tpu.vector_store %arg5[%swap3A_81, %swap3A_82], %broadcast_in_dim3A_80 {strides = array<i32>} : memref<512x128xf32, #tpu.memory_space<vmem>>, vector<512x128xf32>,
    return
  }
  func.func @transform_0(%arg0: i32) -> (i32, i32) {
    %c0_i32 = arith.constant 0 : i32
    %c0_i32_0 = arith.constant 0 : i32
    return %arg0, %c0_i32 : i32, i32
  }
  func.func @transform_1(%arg0: i32) -> (i32, i32) {
    %c0_i32 = arith.constant 0 : i32
    %c0_i32_0 = arith.constant 0 : i32
    %c0_i32_1 = arith.constant 0 : i32
    return %c0_i32, %c0_i32_0 : i32, i32
  }
  func.func @transform_2(%arg0: i32) -> (i32, i32) {
    %c0_i32 = arith.constant 0 : i32
    %c0_i32_0 = arith.constant 0 : i32
    %c0_i32_1 = arith.constant 0 : i32
    return %c0_i32, %c0_i32_0 : i32, i32
  }
  func.func @transform_3(%arg0: i32) -> (i32, i32) {
    %c0_i32 = arith.constant 0 : i32
    %c0_i32_0 = arith.constant 0 : i32
    return %arg0, %c0_i32 : i32, i32
  }
  func.func @transform_4(%arg0: i32) -> (i32, i32) {
    %c0_i32 = arith.constant 0 : i32
    %c0_i32_0 = arith.constant 0 : i32
    return %arg0, %c0_i32 : i32, i32
  }
  func.func @transform_5(%arg0: i32) -> (i32, i32) {
    %c0_i32 = arith.constant 0 : i32
    %c0_i32_0 = arith.constant 0 : i32
    return %arg0, %c0_i32 : i32, i32
  }
}

module attributes {stable_mosaic.version = 14 : i64} {
  func.func @_expert_ffn_body(%arg0: i32, %arg1: memref<256x1024xf32, #tpu.memory_space<vmem>>, %arg2: memref<2x512x1024xf32, #tpu.memory_space<vmem>>, %arg3: memref<2x512x1024xf32, #tpu.memory_space<vmem>>, %arg4: memref<2x1024x512xf32, #tpu.memory_space<vmem>>, %arg5: memref<256x128xf32, #tpu.memory_space<vmem>>, %arg6: memref<256x1024xf32, #tpu.memory_space<vmem>>) attributes {dimension_semantics = [#tpu.dimension_semantics<arbitrary>], iteration_bounds = array<i64: 33>, scalar_prefetch = 0 : i64, scratch_operands = 0 : i64, tpu.core_type = #tpu.core_type<tc>, window_params = [{transform_indices = @transform_0, window_bounds = array<i64: 256, 1024>}, {transform_indices = @transform_1, window_bounds = array<i64: 2, 512, 1024>}, {transform_indices = @transform_2, window_bounds = array<i64: 2, 512, 1024>}, {transform_indices = @transform_3, window_bounds = array<i64: 2, 1024, 512>}, {transform_indices = @transform_4, window_bounds = array<i64: 256, 128>}, {transform_indices = @transform_5, window_bounds = array<i64: 256, 1024>}]} {
    %lt3A = arith.constant 32 : i32
    %lt3A_0 = arith.cmpi slt, %arg0, %lt3A : i32
    %get3A = arith.constant 0 : index
    %get3A_1 = arith.constant 0 : index
    %get3A_2 = vector.load %arg1[%get3A, %get3A_1] : memref<256x1024xf32, #tpu.memory_space<vmem>>, vector<128x1024xf32>
    %broadcast_in_dim3A = arith.constant 0.000000e+00 : f32
    %broadcast_in_dim3A_3 = vector.broadcast %broadcast_in_dim3A : f32 to vector<128x1024xf32>
    %select_n3A = arith.select %lt3A_0, %get3A_2, %broadcast_in_dim3A_3 : vector<128x1024xf32>
    %get3A_4 = arith.constant 0 : index
    %get3A_5 = arith.constant 0 : index
    %get3A_6 = arith.constant 0 : index
    %get3A_7 = vector.load %arg2[%get3A_4, %get3A_5, %get3A_6] : memref<2x512x1024xf32, #tpu.memory_space<vmem>>, vector<1x512x1024xf32>
    %get3A_8 = vector.shape_cast %get3A_7 : vector<1x512x1024xf32> to vector<512x1024xf32>
    %get3A_9 = arith.constant 0 : index
    %get3A_10 = arith.constant 0 : index
    %get3A_11 = arith.constant 0 : index
    %get3A_12 = vector.load %arg3[%get3A_9, %get3A_10, %get3A_11] : memref<2x512x1024xf32, #tpu.memory_space<vmem>>, vector<1x512x1024xf32>
    %get3A_13 = vector.shape_cast %get3A_12 : vector<1x512x1024xf32> to vector<512x1024xf32>
    %get3A_14 = arith.constant 0 : index
    %get3A_15 = arith.constant 0 : index
    %get3A_16 = arith.constant 0 : index
    %get3A_17 = vector.load %arg4[%get3A_14, %get3A_15, %get3A_16] : memref<2x1024x512xf32, #tpu.memory_space<vmem>>, vector<1x1024x512xf32>
    %get3A_18 = vector.shape_cast %get3A_17 : vector<1x1024x512xf32> to vector<1024x512xf32>
    %dot_general3A = arith.constant dense<0.000000e+00> : vector<128x512xf32>
    %dot_general3A_19 = tpu.matmul %select_n3A, %get3A_8, %dot_general3A {dimension_numbers = #tpu.dot_dimension_numbers<[1], [1], [0], [0], [0, 0, 1, 0], [], []>, transpose_lhs_hint = false} : vector<128x1024xf32>, vector<512x1024xf32>, vector<128x512xf32> -> vector<128x512xf32>
    %dot_general3A_20 = arith.constant dense<0.000000e+00> : vector<128x512xf32>
    %dot_general3A_21 = tpu.matmul %select_n3A, %get3A_13, %dot_general3A_20 {dimension_numbers = #tpu.dot_dimension_numbers<[1], [1], [0], [0], [0, 0, 1, 0], [], []>, transpose_lhs_hint = false} : vector<128x1024xf32>, vector<512x1024xf32>, vector<128x512xf32> -> vector<128x512xf32>
    %neg3A = arith.constant 0.000000e+00 : f32
    %neg3A_22 = vector.broadcast %neg3A : f32 to vector<128x512xf32>
    %neg3A_23 = arith.subf %neg3A_22, %dot_general3A_19 : vector<128x512xf32>
    %exp3A = math.exp %neg3A_23 : vector<128x512xf32>
    %add3A = arith.constant 1.000000e+00 : f32
    %add3A_24 = vector.broadcast %add3A : f32 to vector<128x512xf32>
    %add3A_25 = arith.addf %add3A_24, %exp3A : vector<128x512xf32>
    %div3A = arith.divf %dot_general3A_19, %add3A_25 : vector<128x512xf32>
    %mul3A = arith.mulf %div3A, %dot_general3A_21 : vector<128x512xf32>
    %dot_general3A_26 = arith.constant dense<0.000000e+00> : vector<128x1024xf32>
    %dot_general3A_27 = tpu.matmul %mul3A, %get3A_18, %dot_general3A_26 {dimension_numbers = #tpu.dot_dimension_numbers<[1], [1], [0], [0], [0, 0, 1, 0], [], []>, transpose_lhs_hint = false} : vector<128x512xf32>, vector<1024x512xf32>, vector<128x1024xf32> -> vector<128x1024xf32>
    %get3A_28 = arith.constant 0 : index
    %get3A_29 = arith.constant 0 : index
    %get3A_30 = vector.load %arg5[%get3A_28, %get3A_29] : memref<256x128xf32, #tpu.memory_space<vmem>>, vector<128x1xf32>
    %mul3A_31 = vector.broadcast %get3A_30 : vector<128x1xf32> to vector<128x1024xf32>
    %mul3A_32 = arith.mulf %dot_general3A_27, %mul3A_31 : vector<128x1024xf32>
    %broadcast_in_dim3A_33 = arith.constant 0.000000e+00 : f32
    %broadcast_in_dim3A_34 = vector.broadcast %broadcast_in_dim3A_33 : f32 to vector<128x1024xf32>
    %select_n3A_35 = arith.select %lt3A_0, %mul3A_32, %broadcast_in_dim3A_34 : vector<128x1024xf32>
    %swap3A = arith.constant 0 : index
    %swap3A_36 = arith.constant 0 : index
    %swap3A_37 = vector.load %arg6[%swap3A, %swap3A_36] : memref<256x1024xf32, #tpu.memory_space<vmem>>, vector<128x1024xf32>
    tpu.vector_store %arg6[%swap3A, %swap3A_36], %select_n3A_35 {strides = array<i32>} : memref<256x1024xf32, #tpu.memory_space<vmem>>, vector<128x1024xf32>,
    %get3A_38 = arith.constant 128 : index
    %get3A_39 = arith.constant 0 : index
    %get3A_40 = vector.load %arg1[%get3A_38, %get3A_39] : memref<256x1024xf32, #tpu.memory_space<vmem>>, vector<128x1024xf32>
    %broadcast_in_dim3A_41 = arith.constant 0.000000e+00 : f32
    %broadcast_in_dim3A_42 = vector.broadcast %broadcast_in_dim3A_41 : f32 to vector<128x1024xf32>
    %select_n3A_43 = arith.select %lt3A_0, %get3A_40, %broadcast_in_dim3A_42 : vector<128x1024xf32>
    %get3A_44 = arith.constant 1 : index
    %get3A_45 = arith.constant 0 : index
    %get3A_46 = arith.constant 0 : index
    %get3A_47 = vector.load %arg2[%get3A_44, %get3A_45, %get3A_46] : memref<2x512x1024xf32, #tpu.memory_space<vmem>>, vector<1x512x1024xf32>
    %get3A_48 = vector.shape_cast %get3A_47 : vector<1x512x1024xf32> to vector<512x1024xf32>
    %get3A_49 = arith.constant 1 : index
    %get3A_50 = arith.constant 0 : index
    %get3A_51 = arith.constant 0 : index
    %get3A_52 = vector.load %arg3[%get3A_49, %get3A_50, %get3A_51] : memref<2x512x1024xf32, #tpu.memory_space<vmem>>, vector<1x512x1024xf32>
    %get3A_53 = vector.shape_cast %get3A_52 : vector<1x512x1024xf32> to vector<512x1024xf32>
    %get3A_54 = arith.constant 1 : index
    %get3A_55 = arith.constant 0 : index
    %get3A_56 = arith.constant 0 : index
    %get3A_57 = vector.load %arg4[%get3A_54, %get3A_55, %get3A_56] : memref<2x1024x512xf32, #tpu.memory_space<vmem>>, vector<1x1024x512xf32>
    %get3A_58 = vector.shape_cast %get3A_57 : vector<1x1024x512xf32> to vector<1024x512xf32>
    %dot_general3A_59 = arith.constant dense<0.000000e+00> : vector<128x512xf32>
    %dot_general3A_60 = tpu.matmul %select_n3A_43, %get3A_48, %dot_general3A_59 {dimension_numbers = #tpu.dot_dimension_numbers<[1], [1], [0], [0], [0, 0, 1, 0], [], []>, transpose_lhs_hint = false} : vector<128x1024xf32>, vector<512x1024xf32>, vector<128x512xf32> -> vector<128x512xf32>
    %dot_general3A_61 = arith.constant dense<0.000000e+00> : vector<128x512xf32>
    %dot_general3A_62 = tpu.matmul %select_n3A_43, %get3A_53, %dot_general3A_61 {dimension_numbers = #tpu.dot_dimension_numbers<[1], [1], [0], [0], [0, 0, 1, 0], [], []>, transpose_lhs_hint = false} : vector<128x1024xf32>, vector<512x1024xf32>, vector<128x512xf32> -> vector<128x512xf32>
    %neg3A_63 = arith.constant 0.000000e+00 : f32
    %neg3A_64 = vector.broadcast %neg3A_63 : f32 to vector<128x512xf32>
    %neg3A_65 = arith.subf %neg3A_64, %dot_general3A_60 : vector<128x512xf32>
    %exp3A_66 = math.exp %neg3A_65 : vector<128x512xf32>
    %add3A_67 = arith.constant 1.000000e+00 : f32
    %add3A_68 = vector.broadcast %add3A_67 : f32 to vector<128x512xf32>
    %add3A_69 = arith.addf %add3A_68, %exp3A_66 : vector<128x512xf32>
    %div3A_70 = arith.divf %dot_general3A_60, %add3A_69 : vector<128x512xf32>
    %mul3A_71 = arith.mulf %div3A_70, %dot_general3A_62 : vector<128x512xf32>
    %dot_general3A_72 = arith.constant dense<0.000000e+00> : vector<128x1024xf32>
    %dot_general3A_73 = tpu.matmul %mul3A_71, %get3A_58, %dot_general3A_72 {dimension_numbers = #tpu.dot_dimension_numbers<[1], [1], [0], [0], [0, 0, 1, 0], [], []>, transpose_lhs_hint = false} : vector<128x512xf32>, vector<1024x512xf32>, vector<128x1024xf32> -> vector<128x1024xf32>
    %get3A_74 = arith.constant 128 : index
    %get3A_75 = arith.constant 0 : index
    %get3A_76 = vector.load %arg5[%get3A_74, %get3A_75] : memref<256x128xf32, #tpu.memory_space<vmem>>, vector<128x1xf32>
    %mul3A_77 = vector.broadcast %get3A_76 : vector<128x1xf32> to vector<128x1024xf32>
    %mul3A_78 = arith.mulf %dot_general3A_73, %mul3A_77 : vector<128x1024xf32>
    %broadcast_in_dim3A_79 = arith.constant 0.000000e+00 : f32
    %broadcast_in_dim3A_80 = vector.broadcast %broadcast_in_dim3A_79 : f32 to vector<128x1024xf32>
    %select_n3A_81 = arith.select %lt3A_0, %mul3A_78, %broadcast_in_dim3A_80 : vector<128x1024xf32>
    %swap3A_82 = arith.constant 128 : index
    %swap3A_83 = arith.constant 0 : index
    %swap3A_84 = vector.load %arg6[%swap3A_82, %swap3A_83] : memref<256x1024xf32, #tpu.memory_space<vmem>>, vector<128x1024xf32>
    tpu.vector_store %arg6[%swap3A_82, %swap3A_83], %select_n3A_81 {strides = array<i32>} : memref<256x1024xf32, #tpu.memory_space<vmem>>, vector<128x1024xf32>,
    return
  }
  func.func @transform_0(%arg0: i32) -> (i32, i32) {
    %c0_i32 = arith.constant 0 : i32
    %c0_i32_0 = arith.constant 0 : i32
    return %arg0, %c0_i32 : i32, i32
  }
  func.func @transform_1(%arg0: i32) -> (i32, i32, i32) {
    %min3A = arith.constant 31 : i32
    %min3A_0 = arith.minsi %arg0, %min3A : i32
    %c0_i32 = arith.constant 0 : i32
    %c0_i32_1 = arith.constant 0 : i32
    %c0_i32_2 = arith.constant 0 : i32
    return %min3A_0, %c0_i32, %c0_i32_1 : i32, i32, i32
  }
  func.func @transform_2(%arg0: i32) -> (i32, i32, i32) {
    %min3A = arith.constant 31 : i32
    %min3A_0 = arith.minsi %arg0, %min3A : i32
    %c0_i32 = arith.constant 0 : i32
    %c0_i32_1 = arith.constant 0 : i32
    %c0_i32_2 = arith.constant 0 : i32
    return %min3A_0, %c0_i32, %c0_i32_1 : i32, i32, i32
  }
  func.func @transform_3(%arg0: i32) -> (i32, i32, i32) {
    %min3A = arith.constant 31 : i32
    %min3A_0 = arith.minsi %arg0, %min3A : i32
    %c0_i32 = arith.constant 0 : i32
    %c0_i32_1 = arith.constant 0 : i32
    %c0_i32_2 = arith.constant 0 : i32
    return %min3A_0, %c0_i32, %c0_i32_1 : i32, i32, i32
  }
  func.func @transform_4(%arg0: i32) -> (i32, i32) {
    %c0_i32 = arith.constant 0 : i32
    %c0_i32_0 = arith.constant 0 : i32
    return %arg0, %c0_i32 : i32, i32
  }
  func.func @transform_5(%arg0: i32) -> (i32, i32) {
    %c0_i32 = arith.constant 0 : i32
    %c0_i32_0 = arith.constant 0 : i32
    return %arg0, %c0_i32 : i32, i32
  }
}

</mosaic_0001>

<sc_bundles>
// kernel: kernel.10.cloned.1.call-start
scs
__scs_entry_jumppad:
0x0: {  	(pc) =	sbr.rel $0x88, $3  }
0x1: {  	(tag) =	ssettag $0x0;
	lr =	simm.s32 $0x1  }
0x2: {  	[smem:$0x3F98] =	sst lr;
	_ =	strace $0xD0000000  }
0x3: {  	_ = 	snop  }
0x4: {  	_ = 	snop  }
0x5: {  	_ = 	snop  }
0x6: {  	_ = 	snop  }
0x7: {  	_ = 	snop  }
__scs_overlays_trampoline_lowered:
0x8: {  	[smem:$0x3FA7] =	sst s0  }
0x9: {  	[smem:$0x3FA8] =	sst s1  }
0xa: {  	[smem:$0x3FA9] =	sst s2  }
0xb: {  	[smem:$0x3FAA] =	sst s3  }
0xc: {  	[smem:$0x3FAB] =	sst s4  }
0xd: {  	[smem:$0x3FAC] =	sst s5  }
0xe: {  	[smem:$0x3FAD] =	sst s6  }
0xf: {  	[smem:$0x3FAE] =	sst s7  }
0x10: {  	[smem:$0x3FAF] =	sst s8  }
0x11: {  	[smem:$0x3FB0] =	sst s9;
	s0 =	simm.s32 @!p0 $0x0  }
0x12: {  	s1 =	sld [smem:$0x3F96];
	s0 =	simm.s32 @p0 $0x1  }
0x13: {  	[smem:$0x3FB1] =	sst s0;
	s0 =	simm.s32 @!p1 $0x0  }
0x14: {  	s2 =	sld [smem:$0x3F95];
	s0 =	simm.s32 @p1 $0x1  }
0x15: {  	[smem:$0x3FB2] =	sst s0;
	s0 =	simm.s32 @!p2 $0x0  }
0x16: {  	s3 =	sld [smem:$0x3FDB];
	s0 =	simm.s32 @p2 $0x1  }
0x17: {  	s4 =	simm.s32 $0x1BF5;
	[smem:$0x3FB4] =	sst s0  }
0x18: {  	s0 =	sld [smem:$0x3F97];
	_ =	swait.ge [sflag:s4], $0x0  }
0x19: {  	s7 =	sld [smem:$0x3F98]  }
0x1a: {  	s8 =	sadd.s32 $0xFFFFE003, lr  }
0x1b: {  	s9 =	sadd.s32 $0xFFFFFEF7, lr;
	s5 =	simm.s32 $0xFFFFFFFF;
	p2 =	slt.u32 s8, $0xFFFFF086  }
0x1c: {  	p1 =	slt.u32 s9, $0xF7A;
	s5 =	simm.s32 @!p2 $0x0  }
0x1d: {  	s5 =	simm.s32 @p1 $0x1;
	p0 =	seq.s32 s7, s2  }
0x1e: {  	s7 =	smul.u32 @!p0 $0xF7A, s2;
	p2 =	seq.s32 @!p0 s5, $0x0  }
0x1f: {  	s9 =	smul.u32 $0xF7A, s1;
	s8 =	simm.s32 @!p0 $0x1BF5;
	p2 =	por !p2, p0  }
0x20: {  	[sflag:s8] =	ssyncset.s32 @!p0 $0xFFFFF086;
	s6 =	sadd.s32 @!p0 s3, s7;
	s7 =	simm.s32 @!p0 $0x108  }
0x21: {  	s3 =	sadd.s32 s3, s9;
	s6 =	sadd.s32 @!p0 $0x88, s6;
	s7 =	simm.s32 @p2 $0x1082  }
0x22: {  	[simem:s7], [sflag:s8] =	dma.local @!p0 [hbm:s6], $0xF7A  }
0x23: {  	s9 =	sor.u32 $0xD0000000, s2;
	s6 =	simm.s32 $0x108;
	_ =	swait.ge @!p0 [sflag:s8], $0x0  }
0x24: {  	s3 =	sadd.s32 $0x88, s3;
	s6 =	simm.s32 @!p1 $0x1082;
	[sflag:s4] =	ssyncset.s32 $0xFFFFF086  }
0x25: {  	[simem:s6], [sflag:s4] =	dma.local [hbm:s3], $0xF7A  }
0x26: {  	[smem:$0x3F98] =	sst s1;
	(tag) =	ssettag s2;
	_ =	strace s9  }
0x27: {  	s1 =	sld [smem:$0x3FA8]  }
0x28: {  	s2 =	sld [smem:$0x3FA9]  }
0x29: {  	s4 =	sld [smem:$0x3FAB]  }
0x2a: {  	p0 =	seq.s32 s5, $0x0;
	s5 =	sld [smem:$0x3FAC]  }
0x2b: {  	s6 =	sld [smem:$0x3FAD]  }
0x2c: {  	s7 =	sld [smem:$0x3FAE]  }
0x2d: {  	s3 =	simm.s32 $0x108;
	s8 =	sld [smem:$0x3FAF]  }
0x2e: {  	s3 =	simm.s32 @!p0 $0x1082;
	s9 =	sld [smem:$0x3FB0]  }
0x2f: {  	lr =	sadd.s32 s0, s3;
	s0 =	sld [smem:$0x3FA7]  }
0x30: {  	s3 =	sld [smem:$0x3FAA]  }
0x31: {  	[smem:$0x3FB3] =	sst s10  }
0x32: {  	s10 =	sld [smem:$0x3FB1];
	_ =	sdelay $0x3  }
0x33: {  	p0 =	seq.s32 s10, $0x1;
	s10 =	sld [smem:$0x3FB3];
	_ =	sdelay $0x3  }
0x34: {  	[smem:$0x3FB3] =	sst s10  }
0x35: {  	s10 =	sld [smem:$0x3FB2];
	_ =	sdelay $0x3  }
0x36: {  	p1 =	seq.s32 s10, $0x1;
	s10 =	sld [smem:$0x3FB3];
	_ =	sdelay $0x3  }
0x37: {  	[smem:$0x3FB3] =	sst s10  }
0x38: {  	s10 =	sld [smem:$0x3FB4]  }
0x39: {  	_ = 	snop;
	(pc) =	sbr.ind lr, $3  }
0x3a: {  	_ = 	snop  }
0x3b: {  	_ = 	snop  }
0x3c: {  	p2 =	seq.s32 s10, $0x1;
	s10 =	sld [smem:$0x3FB3]  }
0x3d: {  	_ =	shalt  }
0x3e: {  	_ =	shalt  }
0x3f: {  	_ =	shalt  }
0x40: {  	_ =	shalt  }
0x41: {  	_ =	shalt  }
0x42: {  	_ =	shalt  }
0x43: {  	_ =	shalt  }
0x44: {  	_ =	shalt  }
0x45: {  	_ =	shalt  }
0x46: {  	_ =	shalt  }
0x47: {  	_ =	shalt  }
0x48: {  	_ =	shalt  }
0x49: {  	_ =	shalt  }
0x4a: {  	_ =	shalt  }
0x4b: {  	_ =	shalt  }
0x4c: {  	_ =	shalt  }
0x4d: {  	_ =	shalt  }
0x4e: {  	_ =	shalt  }
0x4f: {  	_ =	shalt  }
0x50: {  	_ =	shalt  }
0x51: {  	_ =	shalt  }
0x52: {  	_ =	shalt  }
0x53: {  	_ =	shalt  }
0x54: {  	_ =	shalt  }
0x55: {  	_ =	shalt  }
0x56: {  	_ =	shalt  }
0x57: {  	_ =	shalt  }
0x58: {  	_ =	shalt  }
0x59: {  	_ =	shalt  }
0x5a: {  	_ =	shalt  }
0x5b: {  	_ =	shalt  }
0x5c: {  	_ =	shalt  }
0x5d: {  	_ =	shalt  }
0x5e: {  	_ =	shalt  }
0x5f: {  	_ =	shalt  }
0x60: {  	_ =	shalt  }
0x61: {  	_ =	shalt  }
0x62: {  	_ =	shalt  }
0x63: {  	_ =	shalt  }
0x64: {  	_ =	shalt  }
0x65: {  	_ =	shalt  }
0x66: {  	_ =	shalt  }
0x67: {  	_ =	shalt  }
0x68: {  	_ =	shalt  }
0x69: {  	_ =	shalt  }
0x6a: {  	_ =	shalt  }
0x6b: {  	_ =	shalt  }
0x6c: {  	_ =	shalt  }
0x6d: {  	_ =	shalt  }
0x6e: {  	_ =	shalt  }
0x6f: {  	_ =	shalt  }
0x70: {  	_ =	shalt  }
0x71: {  	_ =	shalt  }
0x72: {  	_ =	shalt  }
0x73: {  	_ =	shalt  }
0x74: {  	_ =	shalt  }
0x75: {  	_ =	shalt  }
0x76: {  	_ =	shalt  }
0x77: {  	_ =	shalt  }
0x78: {  	_ =	shalt  }
0x79: {  	_ =	shalt  }
0x7a: {  	_ =	shalt  }
0x7b: {  	_ =	shalt  }
0x7c: {  	_ =	shalt  }
0x7d: {  	_ =	shalt  }
0x7e: {  	_ =	shalt  }
0x7f: {  	_ =	shalt  }
0x80: {  	_ =	shalt  }
0x81: {  	_ =	shalt  }
0x82: {  	_ =	shalt  }
0x83: {  	_ =	shalt  }
0x84: {  	_ =	shalt  }
0x85: {  	_ =	shalt  }
0x86: {  	_ =	shalt  }
0x87: {  	_ =	shalt  }
.Lfunc_end0:
.L_simem_size_0:
called_computation.1_lowered:
.L_overlay_start_0:
0x88: {  	s2 =	sld [smem:$0x3FD9]  }
0x89: {  	s3 =	sld [smem:$0x3FFE];
	_ =	sdelay $0x1  }
0x8a: {  	s1 =	srdreg.scid  }
0x8b: {  	s0 =	sand.u32 $0x1, s1  }
0x8c: {  	s14 =	sshll.u32 s0, $0xA;
	s2 =	sadd.s32 s3, s2  }
0x8d: {  	s2 =	sadd.s32 s2, s14  }
0x8e: {  	[smem:$0x3FBF] =	sst s2  }
0x8f: {  	_ = 	snop  }
0x90: {  	s2 =	sld [smem:$0x3FD0];
	_ =	sdelay $0x2  }
0x91: {  	s15 =	simm.s32 $0xA;
	s4 =	simm.s32 $0x10  }
0x92: {  	[smem:s4], [sflag:s15] =	dma.local [hbm:s2], $0x1  }
0x93: {  	_ =	swait.eq [sflag:s15], $0x1  }
0x94: {  	[sflag:s15] =	ssyncset.done $0x0  }
0x95: {  	[sflag:s15] =	ssyncadd.s32 $0xFFFFFFFF  }
0x96: {  	s16 =	sld [smem:$0x10];
	(tm) =	ssettm $0x1  }
0x97: {  	s17 =	sld [smem:$0x3FFB];
	_ =	sdelay $0x3  }
0x98: {  	_ =	strace s17  }
0x99: {  	s3 =	sld [smem:$0x3FFC];
	_ =	sdelay $0x3  }
0x9a: {  	_ =	strace s3  }
0x9b: {  	s3 =	sld [smem:$0x3FFD];
	_ =	sdelay $0x3  }
0x9c: {  	_ =	strace s3  }
0x9d: {  	_ =	strace $0x8FFFFFFF  }
0x9e: {  	s18 =	sld [smem:$0x3FDB];
	_ =	sdelay $0x1  }
0x9f: {  	s19 =	simm.s32 $_scs_section_size  }
0xa0: {  	s5 =	simm.s32 $_size__tile_overlayer_lowered;
	s6 =	simm.s32 $_tile_overlayer_lowered  }
0xa1: {  	s22 =	simm.s32 $0x1BFF;
	s21 =	sshll.u32 s6, $0x1;
	s3 =	sadd.s32 s19, s18  }
0xa2: {  	s7 =	simm.s32 $0x0;
	s20 =	sshll.u32 s5, $0x1;
	s5 =	sadd.s32 s21, s3  }
0xa3: {  	[timem:s7], [sflag:s22] =	dma.local [hbm:s5], s20  }
0xa4: {  	_ =	swait.ge [sflag:s22], s20  }
0xa5: {  	s4 =	ssub.s32 $0x0, s20;
	[sflag:s22] =	ssyncset.done $0x0  }
0xa6: {  	[sflag:s22] =	ssyncadd.s32 s4;
	_ =	sdelay $0x1  }
0xa7: {  	s23 =	simm.s32 $0x1B8B  }
0xa8: {  	_ =	swait.ge [sflag:s23], $0x1  }
0xa9: {  	[sflag:s23] =	ssyncset.done $0x0  }
0xaa: {  	s25 =	simm.s32 $0x1B8E;
	s24 =	sld [smem:$0x3FFE];
	[sflag:s23] =	ssyncadd.s32 $0xFFFFFFFF  }
0xab: {  	s26 =	simm.s32 $execute0_lowered;
	[smem:$0x3FD2] =	sst s25  }
0xac: {  	s5 =	sshll.u32 s26, $0x1;
	_ =	strace $0x80000049;
	[dreg:$0x1] =	wrdreg $0xFFFFFFFF  }
0xad: {  	s28 =	simm.s32 $_size_execute0_lowered;
	s3 =	sadd.s32 s3, s5;
	[dreg:$0x0] =	wrdreg $0x0  }
0xae: {  	s5 =	sshll.u32 s28, $0x1;
	[dreg:$0x2] =	wrdreg s3  }
0xaf: {  	[dreg:$0x3] =	wrdreg s5  }
0xb0: {  	[dreg:$0x4] =	wrdreg $0xC0  }
0xb1: {  	_ =	task [dreg:s7], $0x5FFFF  }
0xb2: {  	[dreg:$0x1] =	wrdreg $0xFFFFFFFF  }
0xb3: {  	[dreg:$0x0] =	wrdreg $0x60  }
0xb4: {  	[dreg:$0x2] =	wrdreg s24  }
0xb5: {  	[dreg:$0x3] =	wrdreg s16  }
0xb6: {  	[dreg:$0x4] =	wrdreg $0x9  }
0xb7: {  	_ =	task.clear_ibuf [dreg:s7], $0x5FFFF;
	_ =	strace $0x90000049  }
0xb8: {  	s29 =	simm.s32 $0x9;
	_ =	strace $0x8000004B  }
0xb9: {  	_ =	swait.ge [sflag:s29], $0x1  }
0xba: {  	[sflag:s29] =	ssyncadd.s32 $0xFFFFFFFF  }
0xbb: {  	_ =	strace $0x9000004B  }
0xbc: {  	_ =	sfence  }
0xbd: {  	s30 =	sld [smem:$0x0];
	_ =	sdelay $0x2  }
0xbe: {  	s31 =	sshll.u32 s1, $0xD;
	s1 =	sshrl.u32 s1, $0x2  }
0xbf: {  	s3 =	sand.u32 $0x4000, s31;
	s1 =	sadd.s32 s1, s30  }
0xc0: {  	s0 =	sor.u32 s3, s0;
	s1 =	sshll.u32 s1, $0x11  }
0xc1: {  	s0 =	sor.u32 s1, s0  }
0xc2: {  	s0 =	sadd.s32 $0x8F2B, s0  }
0xc3: {  	[sflag:s0] =	ssyncadd.remote.s32 $0x1  }
0xc4: {  	_ =	sfence.sel $0xFFFF  }
0xc5: {  	[dreg:$0x0] =	wrdreg $0xFFFFFFFF;
	(pc) =	sbr.abs _section_cstart, $3  }
0xc6: {  	[dreg:$0x1] =	wrdreg $0xFFFFFFFF  }
0xc7: {  	_ =	task.clear_ibuf [dreg:s7], $0x2FFFF;
	_ =	strace $0x9FFFFFFF  }
0xc8: {  	(tm) =	ssettm $0x7FFFFFFF  }
0xc9: {  	_ =	shalt  }
tec
execute0_lowered:
.L_overlay_start_1:
0x0: {  	(tag) =	ssettag $0x1  }
0x1: {  	s0 =	rddreg [dreg:$0x0]  }
0x2: {  	s1 =	rddreg [dreg:$0x1];
	s2 =	simm.s32 $0x0;
	s3 =	srdreg.scid  }
0x3: {  	s5 =	stileid.u32;
	s28 =	simm.s32 $0x2880;
	s29 =	simm.s32 $0x3080  }
0x4: {  	s30 =	simm.s32 $0x3880;
	s31 =	simm.s32 $0x4080;
	s13 =	simm.s32 $0x2  }
0x5: {  	[smem:$0x7FF] =	sst s2;
	s4 =	sand.u32 $0x1, s3;
	s3 =	sadd.s32 $0x1A9600, s0  }
0x6: {  	s5 =	sshll.u32 s5, $0x8;
	s9 =	sadd.s32 $0x129600, s0;
	s10 =	sadd.s32 $0x21400, s0  }
0x7: {  	s8 =	sadd.s32 $0x1A9900, s0;
	s6 =	sshll.u32 s4, $0x7;
	s4 =	ssub.s32 $0x2, s4  }
0x8: {  	_ =	strace $0x8000004A;
	s5 =	sor.u32 s6, s5;
	s14 =	sshrl.u32 s4, $0x1  }
0x9: {  	s6 =	sadd.s32 $0x1A9700, s0;
	s7 =	sshrl.u32 s5, $0x3;
	s4 =	ssub.s32 s4, s14  }
0xa: {  	s11 =	sshll.u32 s5, $0x7;
	s12 =	sor.u32 $0x20, s5;
	s20 =	sor.u32 $0x40, s5  }
0xb: {  	s5 =	sor.u32 $0x60, s5;
	s14 =	simm.s32 $0x0;
	s15 =	sadd.s32 s10, s7  }
0xc: {  	s16 =	sadd.s32 s9, s11;
	s7 =	sadd.s32 $0x1A9800, s0;
	s17 =	sshrl.u32 s12, $0x3  }
0xd: {  	s11 =	sadd.s32 s1, s11;
	s18 =	sshll.u32 s12, $0x7;
	[dreg:$0x3] =	wrdreg s15  }
0xe: {  	s21 =	sshrl.u32 s20, $0x3;
	s23 =	sshrl.u32 s5, $0x3;
	[dreg:$0x4] =	wrdreg s16  }
0xf: {  	s25 =	sshll.u32 s5, $0x7;
	s26 =	smax.u32 s4, $0x1;
	[dreg:$0x5] =	wrdreg s11  }
0x10: {  	s4 =	simm.s32 $0x5880;
	s0 =	sadd.s32 s10, s17;
	[dreg:$0xf] =	wrdreg s26  }
0x11: {  	s12 =	simm.s32 $0x1;
	s19 =	sadd.s32 s9, s18;
	[dreg:$0x6] =	wrdreg s0  }
0x12: {  	s11 =	sadd.s32 s10, s21;
	s24 =	sadd.s32 s10, s23;
	[dreg:$0x7] =	wrdreg s19  }
0x13: {  	s5 =	sadd.s32 s9, s25;
	s21 =	simm.s32 $0x8080;
	[dreg:$0x9] =	wrdreg s11  }
0x14: {  	s26 =	simm.s32 $0x2080;
	s10 =	simm.s32 $0x7080;
	[dreg:$0xc] =	wrdreg s24  }
0x15: {  	s0 =	sadd.s32 s1, s18;
	[dreg:$0xd] =	wrdreg s5;
	s24 =	simm.s32 $0x1080  }
0x16: {  	s5 =	simm.s32 $0x6080;
	[dreg:$0x8] =	wrdreg s0;
	s0 =	sshll.u32 s20, $0x7  }
0x17: {  	s11 =	simm.s32 $0x7880;
	s20 =	simm.s32 $0x3;
	s22 =	sadd.s32 s9, s0  }
0x18: {  	v2 =	vlaneseq.u32;
	s0 =	sadd.s32 s1, s0;
	s9 =	simm.s32 $0x6880;
	[dreg:$0xa] =	wrdreg s22  }
0x19: {  	vm0 =	vmmov $0xffff;
	v1 =	vshrl.u32 v2, $0x3;
	[dreg:$0xb] =	wrdreg s0;
	s0 =	sadd.s32 s1, s25;
	s25 =	simm.s32 $0x1880  }
0x1a: {  	v0 =	vand.u32 $0x7, v2;
	v2 =	vor.u32 $0x8, v2;
	v1 =	vmul.u32 $0x8, v1;
	s1 =	simm.s32 $0x5080;
	[dreg:$0xe] =	wrdreg s0;
	s0 =	simm.s32 $0x4880  }
.LBB2_1:
0x1b: {  	s15 =	rddreg [dreg:$0x3]  }
0x1c: {  	[tilespmem:s2], [sflag:$0x3] =	stream.linear.gather [hbm4b:s15+s2], $0x20, $0x38;
	[tilespmem:$0x10080] =	vst v63  }
0x1d: {  	_ =	swait.ge [sflag:s20], $0x20  }
0x1e: {  	[sflag:s20] =	ssyncset.done $0x0  }
0x1f: {  	s17 =	rddreg [dreg:$0x4];
	[sflag:s20] =	ssyncadd.s32 $0xFFFFFFE0  }
0x20: {  	[tilespmem:s21], [sflag:$0x2] =	stream.linear.gather [hbm4b:s17+s2], $0x8000, $0x38;
	[tilespmem:$0x10080] =	vst v63  }
0x21: {  	v3 =	vld [tilespmem:$0x0];
	_ =	sdelay $0x4  }
0x22: {  	v4 =	vshll.u32 v3, $0x3  }
0x23: {  	v3 =	vand.u32 $0x7, v3;
	v4 =	vand.u32 $0xFFFFFFC0, v4  }
0x24: {  	v3 =	vor.u32 v3, v4  }
0x25: {  	v4 =	vperm.xlane v3, v0;
	_ =	sdelay $0x1  }
0x26: {  	v4 =	vadd.s32 v1, v4;
	_ =	sdelay $0x3  }
0x27: {  	s18 =	simm.s32 $0x80  }
0x28: {  	[tilespmem:s18], [sflag:$0x1] =	stream.indirect_vreg.gather [hbm4b:s3+s2], $0x80, v4, vm0, $0xb8;
	[tilespmem:$0x10080] =	vst v63  }
0x29: {  	s19 =	simm.s32 $0x880;
	v3 =	vperm.xlane v3, v2  }
0x2a: {  	[tilespmem:s19], [sflag:$0x1] =	stream.indirect_vreg.gather [hbm4b:s6+s2], $0x80, v4, vm0, $0xb8;
	[tilespmem:$0x10080] =	vst v63  }
0x2b: {  	v3 =	vadd.s32 v1, v3  }
0x2c: {  	[tilespmem:s24], [sflag:$0x1] =	stream.indirect_vreg.gather [hbm4b:s7+s2], $0x80, v4, vm0, $0xb8;
	[tilespmem:$0x10080] =	vst v63  }
0x2d: {  	_ = 	snop  }
0x2e: {  	[tilespmem:s25], [sflag:$0x1] =	stream.indirect_vreg.gather [hbm4b:s8+s2], $0x80, v4, vm0, $0xb8;
	[tilespmem:$0x10080] =	vst v63  }
0x2f: {  	_ = 	snop  }
0x30: {  	[tilespmem:s26], [sflag:$0x1] =	stream.indirect_vreg.gather [hbm4b:s3+s2], $0x80, v3, vm0, $0xb8;
	[tilespmem:$0x10080] =	vst v63  }
0x31: {  	_ = 	snop  }
0x32: {  	[tilespmem:s28], [sflag:$0x1] =	stream.indirect_vreg.gather [hbm4b:s6+s2], $0x80, v3, vm0, $0xb8;
	[tilespmem:$0x10080] =	vst v63  }
0x33: {  	_ = 	snop  }
0x34: {  	[tilespmem:s29], [sflag:$0x1] =	stream.indirect_vreg.gather [hbm4b:s7+s2], $0x80, v3, vm0, $0xb8;
	[tilespmem:$0x10080] =	vst v63  }
0x35: {  	_ = 	snop  }
0x36: {  	[tilespmem:s30], [sflag:$0x1] =	stream.indirect_vreg.gather [hbm4b:s8+s2], $0x80, v3, vm0, $0xb8;
	[tilespmem:$0x10080] =	vst v63  }
0x37: {  	v3 =	vld [tilespmem:$0x10];
	_ =	sdelay $0x4  }
0x38: {  	v4 =	vshll.u32 v3, $0x3  }
0x39: {  	v3 =	vand.u32 $0x7, v3;
	v4 =	vand.u32 $0xFFFFFFC0, v4  }
0x3a: {  	v3 =	vor.u32 v3, v4  }
0x3b: {  	v4 =	vperm.xlane v3, v0;
	_ =	sdelay $0x1  }
0x3c: {  	v4 =	vadd.s32 v1, v4;
	_ =	sdelay $0x4  }
0x3d: {  	[tilespmem:s31], [sflag:$0x1] =	stream.indirect_vreg.gather [hbm4b:s3+s2], $0x80, v4, vm0, $0xb8;
	[tilespmem:$0x10080] =	vst v63  }
0x3e: {  	v3 =	vperm.xlane v3, v2  }
0x3f: {  	[tilespmem:s0], [sflag:$0x1] =	stream.indirect_vreg.gather [hbm4b:s6+s2], $0x80, v4, vm0, $0xb8;
	[tilespmem:$0x10080] =	vst v63  }
0x40: {  	v3 =	vadd.s32 v1, v3  }
0x41: {  	[tilespmem:s1], [sflag:$0x1] =	stream.indirect_vreg.gather [hbm4b:s7+s2], $0x80, v4, vm0, $0xb8;
	[tilespmem:$0x10080] =	vst v63  }
0x42: {  	_ = 	snop  }
0x43: {  	[tilespmem:s4], [sflag:$0x1] =	stream.indirect_vreg.gather [hbm4b:s8+s2], $0x80, v4, vm0, $0xb8;
	[tilespmem:$0x10080] =	vst v63  }
0x44: {  	_ = 	snop  }
0x45: {  	[tilespmem:s5], [sflag:$0x1] =	stream.indirect_vreg.gather [hbm4b:s3+s2], $0x80, v3, vm0, $0xb8;
	[tilespmem:$0x10080] =	vst v63  }
0x46: {  	_ = 	snop  }
0x47: {  	[tilespmem:s9], [sflag:$0x1] =	stream.indirect_vreg.gather [hbm4b:s6+s2], $0x80, v3, vm0, $0xb8;
	[tilespmem:$0x10080] =	vst v63  }
0x48: {  	_ = 	snop  }
0x49: {  	[tilespmem:s10], [sflag:$0x1] =	stream.indirect_vreg.gather [hbm4b:s7+s2], $0x80, v3, vm0, $0xb8;
	[tilespmem:$0x10080] =	vst v63  }
0x4a: {  	_ = 	snop  }
0x4b: {  	[tilespmem:s11], [sflag:$0x1] =	stream.indirect_vreg.gather [hbm4b:s8+s2], $0x80, v3, vm0, $0xb8;
	[tilespmem:$0x10080] =	vst v63  }
0x4c: {  	_ =	swait.ge [sflag:s12], $0x8000  }
0x4d: {  	[sflag:s12] =	ssyncset.done $0x0  }
0x4e: {  	[sflag:s12] =	ssyncadd.s32 $0xFFFF8000  }
0x4f: {  	s22 =	sand.u32 $0x6000, s2;
	s16 =	sand.u32 $0x1800, s2;
	_ =	swait.ge [sflag:s13], $0x8000  }
0x50: {  	s23 =	sand.u32 $0x380, s2;
	s15 =	sor.u32 s16, s22;
	[sflag:s13] =	ssyncset.done $0x0  }
0x51: {  	s15 =	sor.u32 s23, s15;
	[sflag:s13] =	ssyncadd.s32 $0xFFFF8000  }
0x52: {  	v3 =	vld [tilespmem:s15+$0x84F0]  }
0x53: {  	v4 =	vld [tilespmem:s15+$0x4F0]  }
0x54: {  	v5 =	vld [tilespmem:s15+$0x8080]  }
0x55: {  	v6 =	vld [tilespmem:s15+$0x80]  }
0x56: {  	v7 =	vld [tilespmem:s15+$0x8090]  }
0x57: {  	v8 =	vld [tilespmem:s15+$0x90]  }
0x58: {  	v9 =	vld [tilespmem:s15+$0x80A0]  }
0x59: {  	v10 =	vld [tilespmem:s15+$0xA0]  }
0x5a: {  	v11 =	vld [tilespmem:s15+$0x80B0]  }
0x5b: {  	v12 =	vld [tilespmem:s15+$0xB0]  }
0x5c: {  	v13 =	vld [tilespmem:s15+$0x80C0]  }
0x5d: {  	v14 =	vld [tilespmem:s15+$0xC0]  }
0x5e: {  	v15 =	vld [tilespmem:s15+$0x80D0]  }
0x5f: {  	v16 =	vld [tilespmem:s15+$0xD0]  }
0x60: {  	v17 =	vld [tilespmem:s15+$0x80E0]  }
0x61: {  	v18 =	vld [tilespmem:s15+$0xE0]  }
0x62: {  	v3 =	vadd.f32 v4, v3;
	v4 =	vld [tilespmem:s15+$0x80F0]  }
0x63: {  	v5 =	vadd.f32 v6, v5;
	v6 =	vld [tilespmem:s15+$0xF0]  }
0x64: {  	[tilespmem:s15+$0x84F0] =	vst v3;
	v3 =	vadd.f32 v8, v7;
	v7 =	vld [tilespmem:s15+$0x8480]  }
0x65: {  	[tilespmem:s15+$0x8080] =	vst v5;
	v5 =	vadd.f32 v10, v9;
	v8 =	vld [tilespmem:s15+$0x480]  }
0x66: {  	v9 =	vld [tilespmem:s15+$0x8490];
	[tilespmem:s15+$0x8090] =	vst v3;
	v3 =	vadd.f32 v12, v11  }
0x67: {  	v10 =	vld [tilespmem:s15+$0x490];
	[tilespmem:s15+$0x80A0] =	vst v5;
	v5 =	vadd.f32 v14, v13  }
0x68: {  	v63 =	vld [tilespmem:s15+$0x4A0];
	[tilespmem:s15+$0x80B0] =	vst v3;
	v3 =	vadd.f32 v16, v15  }
0x69: {  	v11 =	vld [tilespmem:s15+$0x84A0];
	[tilespmem:s15+$0x80C0] =	vst v5;
	v5 =	vadd.f32 v18, v17  }
0x6a: {  	v4 =	vadd.f32 v6, v4;
	[tilespmem:s15+$0x80D0] =	vst v3;
	v3 =	vld [tilespmem:s15+$0x84B0]  }
0x6b: {  	v6 =	vadd.f32 v8, v7;
	[tilespmem:s15+$0x80E0] =	vst v5;
	v5 =	vld [tilespmem:s15+$0x4B0]  }
0x6c: {  	[tilespmem:s15+$0x80F0] =	vst v4;
	v8 =	vadd.f32 v10, v9;
	v4 =	vld [tilespmem:s15+$0x84C0]  }
0x6d: {  	s16 =	simm.s32 $0x0;
	v7 =	vld [tilespmem:s15+$0x4C0];
	[tilespmem:s15+$0x8480] =	vst v6  }
0x6e: {  	s17 =	simm.s32 $0x800;
	s18 =	simm.s32 $0x100;
	s19 =	simm.s32 $0x0;
	[tilespmem:s15+$0x8490] =	vst v8;
	v8 =	vadd.f32 v63, v11;
	v6 =	vld [tilespmem:s15+$0x84D0]  }
.LBB2_2:
0x6f: {  	s22 =	sand.u32 $0x6000, s18;
	s23 =	sand.u32 $0x1800, s17;
	v9 =	vld [tilespmem:s15+$0x4D0];
	s19 =	sadd.s32 $0x20, s19  }
0x70: {  	s16 =	sadd.s32 $0x10, s16;
	s22 =	sor.u32 s23, s22;
	s23 =	sand.u32 $0x380, s19;
	[tilespmem:s15+$0x84A0] =	vst v8;
	v3 =	vadd.f32 v5, v3;
	v5 =	vld [tilespmem:s15+$0x84E0]  }
0x71: {  	p0 =	slt.u32 s16, $0x7F0;
	s22 =	sor.u32 s23, s22;
	v8 =	vld [tilespmem:s15+$0x4E0]  }
0x72: {  	v10 =	vld [tilespmem:s22+$0x84F0];
	[tilespmem:s15+$0x84B0] =	vst v3;
	v3 =	vadd.f32 v7, v4  }
0x73: {  	v4 =	vld [tilespmem:s22+$0x4F0]  }
0x74: {  	v7 =	vld [tilespmem:s22+$0x8080];
	[tilespmem:s15+$0x84C0] =	vst v3;
	v3 =	vadd.f32 v9, v6  }
0x75: {  	v6 =	vld [tilespmem:s22+$0x80]  }
0x76: {  	v9 =	vld [tilespmem:s22+$0x8090];
	[tilespmem:s15+$0x84D0] =	vst v3;
	v3 =	vadd.f32 v8, v5  }
0x77: {  	v5 =	vld [tilespmem:s22+$0x90]  }
0x78: {  	v8 =	vld [tilespmem:s22+$0x80A0];
	v4 =	vadd.f32 v4, v10;
	[tilespmem:s15+$0x84E0] =	vst v3;
	s15 =	smov.u32 s22  }
0x79: {  	v3 =	vld [tilespmem:s15+$0xA0]  }
0x7a: {  	v6 =	vadd.f32 v6, v7;
	v7 =	vld [tilespmem:s15+$0x80B0];
	[tilespmem:s15+$0x84F0] =	vst v4  }
0x7b: {  	v4 =	vld [tilespmem:s15+$0xB0]  }
0x7c: {  	[tilespmem:s15+$0x8080] =	vst v6;
	v5 =	vadd.f32 v5, v9;
	v6 =	vld [tilespmem:s15+$0x80C0]  }
0x7d: {  	v9 =	vld [tilespmem:s15+$0xC0]  }
0x7e: {  	[tilespmem:s15+$0x8090] =	vst v5;
	v3 =	vadd.f32 v3, v8;
	v5 =	vld [tilespmem:s15+$0x80D0]  }
0x7f: {  	v8 =	vld [tilespmem:s15+$0xD0]  }
0x80: {  	[tilespmem:s15+$0x80A0] =	vst v3;
	v3 =	vadd.f32 v4, v7;
	v4 =	vld [tilespmem:s15+$0x80E0]  }
0x81: {  	v7 =	vld [tilespmem:s15+$0xE0]  }
0x82: {  	[tilespmem:s15+$0x80B0] =	vst v3;
	v3 =	vadd.f32 v9, v6;
	v6 =	vld [tilespmem:s15+$0x80F0]  }
0x83: {  	v9 =	vld [tilespmem:s15+$0xF0]  }
0x84: {  	[tilespmem:s15+$0x80C0] =	vst v3;
	v3 =	vadd.f32 v8, v5;
	v5 =	vld [tilespmem:s15+$0x8480]  }
0x85: {  	v8 =	vld [tilespmem:s15+$0x480]  }
0x86: {  	[tilespmem:s15+$0x80D0] =	vst v3;
	v3 =	vadd.f32 v7, v4;
	v4 =	vld [tilespmem:s15+$0x8490]  }
0x87: {  	v7 =	vld [tilespmem:s15+$0x490]  }
0x88: {  	[tilespmem:s15+$0x80E0] =	vst v3;
	v3 =	vadd.f32 v9, v6;
	v6 =	vld [tilespmem:s15+$0x84A0]  }
0x89: {  	v9 =	vld [tilespmem:s15+$0x4A0]  }
.Ltmp0:
0x8a: {  	[tilespmem:s15+$0x80F0] =	vst v3;
	v8 =	vadd.f32 v8, v5;
	v3 =	vld [tilespmem:s15+$0x84B0];
	(pc) =	sbr.rel @p0 .LBB2_2-.Ltmp0, $4  }
0x8b: {  	v5 =	vld [tilespmem:s15+$0x4B0]  }
0x8c: {  	[tilespmem:s15+$0x8480] =	vst v8;
	v8 =	vadd.f32 v7, v4;
	v4 =	vld [tilespmem:s15+$0x84C0]  }
0x8d: {  	v7 =	vld [tilespmem:s15+$0x4C0]  }
0x8e: {  	s17 =	sadd.s32 $0x800, s17;
	s18 =	sadd.s32 $0x100, s18;
	[tilespmem:s15+$0x8490] =	vst v8;
	v8 =	vadd.f32 v9, v6;
	v6 =	vld [tilespmem:s15+$0x84D0]  }
0x8f: {  	v9 =	vld [tilespmem:s15+$0x4D0]  }
0x90: {  	v10 =	vld [tilespmem:s15+$0x84E0]  }
0x91: {  	v11 =	vld [tilespmem:s15+$0x4E0];
	_ =	sdelay $0x1  }
0x92: {  	v3 =	vadd.f32 v5, v3  }
0x93: {  	[tilespmem:s15+$0x84A0] =	vst v8;
	v4 =	vadd.f32 v7, v4  }
0x94: {  	[tilespmem:s15+$0x84B0] =	vst v3;
	v3 =	vadd.f32 v9, v6  }
0x95: {  	[tilespmem:s15+$0x84C0] =	vst v4;
	v4 =	vadd.f32 v11, v10  }
0x96: {  	[tilespmem:s15+$0x84D0] =	vst v3  }
0x97: {  	[tilespmem:s15+$0x84E0] =	vst v4  }
0x98: {  	s15 =	simm.s32 $0x0;
	s16 =	rddreg [dreg:$0x5]  }
0x99: {  	[hbm4b:s16+s15] =	stream.linear.scatter [tilespmem:s21], [sflag:$0x3], $0x8000, $0x38;
	[tilespmem:$0x10080] =	vst v63  }
0x9a: {  	_ =	swait.ge [sflag:s20], $0x8000  }
0x9b: {  	[sflag:s20] =	ssyncset.done $0x0  }
0x9c: {  	s23 =	rddreg [dreg:$0x6];
	[sflag:s20] =	ssyncadd.s32 $0xFFFF8000  }
0x9d: {  	[tilespmem:s15], [sflag:$0x3] =	stream.linear.gather [hbm4b:s23+s15], $0x20, $0x38;
	[tilespmem:$0x10080] =	vst v63  }
0x9e: {  	_ =	swait.ge [sflag:s20], $0x20  }
0x9f: {  	[sflag:s20] =	ssyncset.done $0x0  }
0xa0: {  	s17 =	rddreg [dreg:$0x7];
	[sflag:s20] =	ssyncadd.s32 $0xFFFFFFE0  }
0xa1: {  	[tilespmem:s21], [sflag:$0x2] =	stream.linear.gather [hbm4b:s17+s15], $0x8000, $0x38;
	[tilespmem:$0x10080] =	vst v63  }
0xa2: {  	v3 =	vld [tilespmem:$0x0];
	_ =	sdelay $0x4  }
0xa3: {  	v4 =	vshll.u32 v3, $0x3  }
0xa4: {  	v3 =	vand.u32 $0x7, v3;
	v4 =	vand.u32 $0xFFFFFFC0, v4  }
0xa5: {  	v3 =	vor.u32 v3, v4  }
0xa6: {  	v4 =	vperm.xlane v3, v0;
	_ =	sdelay $0x1  }
0xa7: {  	v4 =	vadd.s32 v1, v4;
	_ =	sdelay $0x3  }
0xa8: {  	s18 =	simm.s32 $0x80  }
0xa9: {  	[tilespmem:s18], [sflag:$0x1] =	stream.indirect_vreg.gather [hbm4b:s3+s15], $0x80, v4, vm0, $0xb8;
	[tilespmem:$0x10080] =	vst v63  }
0xaa: {  	s19 =	simm.s32 $0x880;
	v3 =	vperm.xlane v3, v2  }
0xab: {  	[tilespmem:s19], [sflag:$0x1] =	stream.indirect_vreg.gather [hbm4b:s6+s15], $0x80, v4, vm0, $0xb8;
	[tilespmem:$0x10080] =	vst v63  }
0xac: {  	v3 =	vadd.s32 v1, v3  }
0xad: {  	[tilespmem:s24], [sflag:$0x1] =	stream.indirect_vreg.gather [hbm4b:s7+s15], $0x80, v4, vm0, $0xb8;
	[tilespmem:$0x10080] =	vst v63  }
0xae: {  	_ = 	snop  }
0xaf: {  	[tilespmem:s25], [sflag:$0x1] =	stream.indirect_vreg.gather [hbm4b:s8+s15], $0x80, v4, vm0, $0xb8;
	[tilespmem:$0x10080] =	vst v63  }
0xb0: {  	_ = 	snop  }
0xb1: {  	[tilespmem:s26], [sflag:$0x1] =	stream.indirect_vreg.gather [hbm4b:s3+s15], $0x80, v3, vm0, $0xb8;
	[tilespmem:$0x10080] =	vst v63  }
0xb2: {  	_ = 	snop  }
0xb3: {  	[tilespmem:s28], [sflag:$0x1] =	stream.indirect_vreg.gather [hbm4b:s6+s15], $0x80, v3, vm0, $0xb8;
	[tilespmem:$0x10080] =	vst v63  }
0xb4: {  	_ = 	snop  }
0xb5: {  	[tilespmem:s29], [sflag:$0x1] =	stream.indirect_vreg.gather [hbm4b:s7+s15], $0x80, v3, vm0, $0xb8;
	[tilespmem:$0x10080] =	vst v63  }
0xb6: {  	_ = 	snop  }
0xb7: {  	[tilespmem:s30], [sflag:$0x1] =	stream.indirect_vreg.gather [hbm4b:s8+s15], $0x80, v3, vm0, $0xb8;
	[tilespmem:$0x10080] =	vst v63  }
0xb8: {  	v3 =	vld [tilespmem:$0x10];
	_ =	sdelay $0x4  }
0xb9: {  	v4 =	vshll.u32 v3, $0x3  }
0xba: {  	v3 =	vand.u32 $0x7, v3;
	v4 =	vand.u32 $0xFFFFFFC0, v4  }
0xbb: {  	v3 =	vor.u32 v3, v4  }
0xbc: {  	v4 =	vperm.xlane v3, v0;
	_ =	sdelay $0x1  }
0xbd: {  	v4 =	vadd.s32 v1, v4;
	_ =	sdelay $0x4  }
0xbe: {  	[tilespmem:s31], [sflag:$0x1] =	stream.indirect_vreg.gather [hbm4b:s3+s15], $0x80, v4, vm0, $0xb8;
	[tilespmem:$0x10080] =	vst v63  }
0xbf: {  	v3 =	vperm.xlane v3, v2  }
0xc0: {  	[tilespmem:s0], [sflag:$0x1] =	stream.indirect_vreg.gather [hbm4b:s6+s15], $0x80, v4, vm0, $0xb8;
	[tilespmem:$0x10080] =	vst v63  }
0xc1: {  	v3 =	vadd.s32 v1, v3  }
0xc2: {  	[tilespmem:s1], [sflag:$0x1] =	stream.indirect_vreg.gather [hbm4b:s7+s15], $0x80, v4, vm0, $0xb8;
	[tilespmem:$0x10080] =	vst v63  }
0xc3: {  	_ = 	snop  }
0xc4: {  	[tilespmem:s4], [sflag:$0x1] =	stream.indirect_vreg.gather [hbm4b:s8+s15], $0x80, v4, vm0, $0xb8;
	[tilespmem:$0x10080] =	vst v63  }
0xc5: {  	_ = 	snop  }
0xc6: {  	[tilespmem:s5], [sflag:$0x1] =	stream.indirect_vreg.gather [hbm4b:s3+s15], $0x80, v3, vm0, $0xb8;
	[tilespmem:$0x10080] =	vst v63  }
0xc7: {  	_ = 	snop  }
0xc8: {  	[tilespmem:s9], [sflag:$0x1] =	stream.indirect_vreg.gather [hbm4b:s6+s15], $0x80, v3, vm0, $0xb8;
	[tilespmem:$0x10080] =	vst v63  }
0xc9: {  	_ = 	snop  }
0xca: {  	[tilespmem:s10], [sflag:$0x1] =	stream.indirect_vreg.gather [hbm4b:s7+s15], $0x80, v3, vm0, $0xb8;
	[tilespmem:$0x10080] =	vst v63  }
0xcb: {  	_ = 	snop  }
0xcc: {  	[tilespmem:s11], [sflag:$0x1] =	stream.indirect_vreg.gather [hbm4b:s8+s15], $0x80, v3, vm0, $0xb8;
	[tilespmem:$0x10080] =	vst v63  }
0xcd: {  	_ =	swait.ge [sflag:s12], $0x8000  }
0xce: {  	[sflag:s12] =	ssyncset.done $0x0  }
0xcf: {  	[sflag:s12] =	ssyncadd.s32 $0xFFFF8000  }
0xd0: {  	s22 =	sand.u32 $0x6000, s15;
	s17 =	sand.u32 $0x1800, s15;
	_ =	swait.ge [sflag:s13], $0x8000  }
0xd1: {  	s23 =	sand.u32 $0x380, s15;
	s16 =	sor.u32 s17, s22;
	[sflag:s13] =	ssyncset.done $0x0  }
0xd2: {  	s16 =	sor.u32 s23, s16;
	[sflag:s13] =	ssyncadd.s32 $0xFFFF8000  }
0xd3: {  	v3 =	vld [tilespmem:s16+$0x84F0]  }
0xd4: {  	v4 =	vld [tilespmem:s16+$0x4F0]  }
0xd5: {  	v5 =	vld [tilespmem:s16+$0x8080]  }
0xd6: {  	v6 =	vld [tilespmem:s16+$0x80]  }
0xd7: {  	v7 =	vld [tilespmem:s16+$0x8090]  }
0xd8: {  	v8 =	vld [tilespmem:s16+$0x90]  }
0xd9: {  	v9 =	vld [tilespmem:s16+$0x80A0]  }
0xda: {  	v10 =	vld [tilespmem:s16+$0xA0]  }
0xdb: {  	v11 =	vld [tilespmem:s16+$0x80B0]  }
0xdc: {  	v12 =	vld [tilespmem:s16+$0xB0]  }
0xdd: {  	v13 =	vld [tilespmem:s16+$0x80C0]  }
0xde: {  	v14 =	vld [tilespmem:s16+$0xC0]  }
0xdf: {  	v15 =	vld [tilespmem:s16+$0x80D0]  }
0xe0: {  	v16 =	vld [tilespmem:s16+$0xD0]  }
0xe1: {  	v17 =	vld [tilespmem:s16+$0x80E0]  }
0xe2: {  	v18 =	vld [tilespmem:s16+$0xE0]  }
0xe3: {  	v3 =	vadd.f32 v4, v3;
	v4 =	vld [tilespmem:s16+$0x80F0]  }
0xe4: {  	v5 =	vadd.f32 v6, v5;
	v6 =	vld [tilespmem:s16+$0xF0]  }
0xe5: {  	[tilespmem:s16+$0x84F0] =	vst v3;
	v3 =	vadd.f32 v8, v7;
	v7 =	vld [tilespmem:s16+$0x8480]  }
0xe6: {  	[tilespmem:s16+$0x8080] =	vst v5;
	v5 =	vadd.f32 v10, v9;
	v8 =	vld [tilespmem:s16+$0x480]  }
0xe7: {  	v9 =	vld [tilespmem:s16+$0x8490];
	[tilespmem:s16+$0x8090] =	vst v3;
	v3 =	vadd.f32 v12, v11  }
0xe8: {  	v10 =	vld [tilespmem:s16+$0x490];
	[tilespmem:s16+$0x80A0] =	vst v5;
	v5 =	vadd.f32 v14, v13  }
0xe9: {  	v63 =	vld [tilespmem:s16+$0x4A0];
	[tilespmem:s16+$0x80B0] =	vst v3;
	v3 =	vadd.f32 v16, v15  }
0xea: {  	v11 =	vld [tilespmem:s16+$0x84A0];
	[tilespmem:s16+$0x80C0] =	vst v5;
	v5 =	vadd.f32 v18, v17  }
0xeb: {  	v4 =	vadd.f32 v6, v4;
	[tilespmem:s16+$0x80D0] =	vst v3;
	v3 =	vld [tilespmem:s16+$0x84B0]  }
0xec: {  	v6 =	vadd.f32 v8, v7;
	[tilespmem:s16+$0x80E0] =	vst v5;
	v5 =	vld [tilespmem:s16+$0x4B0]  }
0xed: {  	[tilespmem:s16+$0x80F0] =	vst v4;
	v7 =	vadd.f32 v10, v9;
	v4 =	vld [tilespmem:s16+$0x84C0]  }
0xee: {  	[tilespmem:s16+$0x8480] =	vst v6;
	v6 =	vld [tilespmem:s16+$0x4C0]  }
0xef: {  	s17 =	simm.s32 $0x0;
	s18 =	simm.s32 $0x800;
	s19 =	simm.s32 $0x100;
	[tilespmem:s16+$0x8490] =	vst v7;
	v8 =	vadd.f32 v63, v11;
	v7 =	vld [tilespmem:s16+$0x84D0]  }
.LBB2_4:
0xf0: {  	s22 =	sand.u32 $0x6000, s19;
	s23 =	sand.u32 $0x1800, s18;
	v9 =	vld [tilespmem:s16+$0x4D0];
	s15 =	sadd.s32 $0x20, s15  }
0xf1: {  	s17 =	sadd.s32 $0x10, s17;
	s22 =	sor.u32 s23, s22;
	s23 =	sand.u32 $0x380, s15;
	[tilespmem:s16+$0x84A0] =	vst v8;
	v3 =	vadd.f32 v5, v3;
	v5 =	vld [tilespmem:s16+$0x84E0]  }
0xf2: {  	p0 =	slt.u32 s17, $0x7F0;
	s22 =	sor.u32 s23, s22;
	v8 =	vld [tilespmem:s16+$0x4E0]  }
0xf3: {  	v10 =	vld [tilespmem:s22+$0x84F0];
	[tilespmem:s16+$0x84B0] =	vst v3;
	v3 =	vadd.f32 v6, v4  }
0xf4: {  	v4 =	vld [tilespmem:s22+$0x4F0]  }
0xf5: {  	v6 =	vld [tilespmem:s22+$0x8080];
	[tilespmem:s16+$0x84C0] =	vst v3;
	v3 =	vadd.f32 v9, v7  }
0xf6: {  	v7 =	vld [tilespmem:s22+$0x80]  }
0xf7: {  	v9 =	vld [tilespmem:s22+$0x8090];
	[tilespmem:s16+$0x84D0] =	vst v3;
	v3 =	vadd.f32 v8, v5  }
0xf8: {  	v5 =	vld [tilespmem:s22+$0x90]  }
0xf9: {  	v8 =	vld [tilespmem:s22+$0x80A0];
	v4 =	vadd.f32 v4, v10;
	[tilespmem:s16+$0x84E0] =	vst v3;
	s16 =	smov.u32 s22  }
0xfa: {  	v3 =	vld [tilespmem:s16+$0xA0]  }
0xfb: {  	v6 =	vadd.f32 v7, v6;
	v7 =	vld [tilespmem:s16+$0x80B0];
	[tilespmem:s16+$0x84F0] =	vst v4  }
0xfc: {  	v4 =	vld [tilespmem:s16+$0xB0]  }
0xfd: {  	[tilespmem:s16+$0x8080] =	vst v6;
	v5 =	vadd.f32 v5, v9;
	v6 =	vld [tilespmem:s16+$0x80C0]  }
0xfe: {  	v9 =	vld [tilespmem:s16+$0xC0]  }
0xff: {  	[tilespmem:s16+$0x8090] =	vst v5;
	v3 =	vadd.f32 v3, v8;
	v5 =	vld [tilespmem:s16+$0x80D0]  }
0x100: {  	v8 =	vld [tilespmem:s16+$0xD0]  }
0x101: {  	[tilespmem:s16+$0x80A0] =	vst v3;
	v3 =	vadd.f32 v4, v7;
	v4 =	vld [tilespmem:s16+$0x80E0]  }
0x102: {  	v7 =	vld [tilespmem:s16+$0xE0]  }
0x103: {  	[tilespmem:s16+$0x80B0] =	vst v3;
	v3 =	vadd.f32 v9, v6;
	v6 =	vld [tilespmem:s16+$0x80F0]  }
0x104: {  	v9 =	vld [tilespmem:s16+$0xF0]  }
0x105: {  	[tilespmem:s16+$0x80C0] =	vst v3;
	v3 =	vadd.f32 v8, v5;
	v5 =	vld [tilespmem:s16+$0x8480]  }
0x106: {  	v8 =	vld [tilespmem:s16+$0x480]  }
0x107: {  	[tilespmem:s16+$0x80D0] =	vst v3;
	v3 =	vadd.f32 v7, v4;
	v4 =	vld [tilespmem:s16+$0x8490]  }
0x108: {  	v7 =	vld [tilespmem:s16+$0x490]  }
0x109: {  	[tilespmem:s16+$0x80E0] =	vst v3;
	v3 =	vadd.f32 v9, v6;
	v9 =	vld [tilespmem:s16+$0x84A0]  }
0x10a: {  	v10 =	vld [tilespmem:s16+$0x4A0]  }
.Ltmp1:
0x10b: {  	[tilespmem:s16+$0x80F0] =	vst v3;
	v6 =	vadd.f32 v8, v5;
	v3 =	vld [tilespmem:s16+$0x84B0];
	(pc) =	sbr.rel @p0 .LBB2_4-.Ltmp1, $4  }
0x10c: {  	v5 =	vld [tilespmem:s16+$0x4B0]  }
0x10d: {  	[tilespmem:s16+$0x8480] =	vst v6;
	v7 =	vadd.f32 v7, v4;
	v4 =	vld [tilespmem:s16+$0x84C0]  }
0x10e: {  	v6 =	vld [tilespmem:s16+$0x4C0]  }
0x10f: {  	s18 =	sadd.s32 $0x800, s18;
	s19 =	sadd.s32 $0x100, s19;
	[tilespmem:s16+$0x8490] =	vst v7;
	v8 =	vadd.f32 v10, v9;
	v7 =	vld [tilespmem:s16+$0x84D0]  }
0x110: {  	v9 =	vld [tilespmem:s16+$0x4D0]  }
0x111: {  	v10 =	vld [tilespmem:s16+$0x84E0]  }
0x112: {  	v11 =	vld [tilespmem:s16+$0x4E0];
	_ =	sdelay $0x1  }
0x113: {  	v3 =	vadd.f32 v5, v3  }
0x114: {  	[tilespmem:s16+$0x84A0] =	vst v8;
	v4 =	vadd.f32 v6, v4  }
0x115: {  	[tilespmem:s16+$0x84B0] =	vst v3;
	v3 =	vadd.f32 v9, v7  }
0x116: {  	[tilespmem:s16+$0x84C0] =	vst v4;
	v4 =	vadd.f32 v11, v10  }
0x117: {  	[tilespmem:s16+$0x84D0] =	vst v3  }
0x118: {  	[tilespmem:s16+$0x84E0] =	vst v4  }
0x119: {  	s15 =	simm.s32 $0x0;
	s16 =	rddreg [dreg:$0x8]  }
0x11a: {  	[hbm4b:s16+s15] =	stream.linear.scatter [tilespmem:s21], [sflag:$0x3], $0x8000, $0x38;
	[tilespmem:$0x10080] =	vst v63  }
0x11b: {  	_ =	swait.ge [sflag:s20], $0x8000  }
0x11c: {  	[sflag:s20] =	ssyncset.done $0x0  }
0x11d: {  	s23 =	rddreg [dreg:$0x9];
	[sflag:s20] =	ssyncadd.s32 $0xFFFF8000  }
0x11e: {  	[tilespmem:s15], [sflag:$0x3] =	stream.linear.gather [hbm4b:s23+s15], $0x20, $0x38;
	[tilespmem:$0x10080] =	vst v63  }
0x11f: {  	_ =	swait.ge [sflag:s20], $0x20  }
0x120: {  	[sflag:s20] =	ssyncset.done $0x0  }
0x121: {  	s17 =	rddreg [dreg:$0xa];
	[sflag:s20] =	ssyncadd.s32 $0xFFFFFFE0  }
0x122: {  	[tilespmem:s21], [sflag:$0x2] =	stream.linear.gather [hbm4b:s17+s15], $0x8000, $0x38;
	[tilespmem:$0x10080] =	vst v63  }
0x123: {  	v3 =	vld [tilespmem:$0x0];
	_ =	sdelay $0x4  }
0x124: {  	v4 =	vshll.u32 v3, $0x3  }
0x125: {  	v3 =	vand.u32 $0x7, v3;
	v4 =	vand.u32 $0xFFFFFFC0, v4  }
0x126: {  	v3 =	vor.u32 v3, v4  }
0x127: {  	v4 =	vperm.xlane v3, v0;
	_ =	sdelay $0x1  }
0x128: {  	v4 =	vadd.s32 v1, v4;
	_ =	sdelay $0x3  }
0x129: {  	s18 =	simm.s32 $0x80  }
0x12a: {  	[tilespmem:s18], [sflag:$0x1] =	stream.indirect_vreg.gather [hbm4b:s3+s15], $0x80, v4, vm0, $0xb8;
	[tilespmem:$0x10080] =	vst v63  }
0x12b: {  	s19 =	simm.s32 $0x880;
	v3 =	vperm.xlane v3, v2  }
0x12c: {  	[tilespmem:s19], [sflag:$0x1] =	stream.indirect_vreg.gather [hbm4b:s6+s15], $0x80, v4, vm0, $0xb8;
	[tilespmem:$0x10080] =	vst v63  }
0x12d: {  	v3 =	vadd.s32 v1, v3  }
0x12e: {  	[tilespmem:s24], [sflag:$0x1] =	stream.indirect_vreg.gather [hbm4b:s7+s15], $0x80, v4, vm0, $0xb8;
	[tilespmem:$0x10080] =	vst v63  }
0x12f: {  	_ = 	snop  }
0x130: {  	[tilespmem:s25], [sflag:$0x1] =	stream.indirect_vreg.gather [hbm4b:s8+s15], $0x80, v4, vm0, $0xb8;
	[tilespmem:$0x10080] =	vst v63  }
0x131: {  	_ = 	snop  }
0x132: {  	[tilespmem:s26], [sflag:$0x1] =	stream.indirect_vreg.gather [hbm4b:s3+s15], $0x80, v3, vm0, $0xb8;
	[tilespmem:$0x10080] =	vst v63  }
0x133: {  	_ = 	snop  }
0x134: {  	[tilespmem:s28], [sflag:$0x1] =	stream.indirect_vreg.gather [hbm4b:s6+s15], $0x80, v3, vm0, $0xb8;
	[tilespmem:$0x10080] =	vst v63  }
0x135: {  	_ = 	snop  }
0x136: {  	[tilespmem:s29], [sflag:$0x1] =	stream.indirect_vreg.gather [hbm4b:s7+s15], $0x80, v3, vm0, $0xb8;
	[tilespmem:$0x10080] =	vst v63  }
0x137: {  	_ = 	snop  }
0x138: {  	[tilespmem:s30], [sflag:$0x1] =	stream.indirect_vreg.gather [hbm4b:s8+s15], $0x80, v3, vm0, $0xb8;
	[tilespmem:$0x10080] =	vst v63  }
0x139: {  	v3 =	vld [tilespmem:$0x10];
	_ =	sdelay $0x4  }
0x13a: {  	v4 =	vshll.u32 v3, $0x3  }
0x13b: {  	v3 =	vand.u32 $0x7, v3;
	v4 =	vand.u32 $0xFFFFFFC0, v4  }
0x13c: {  	v3 =	vor.u32 v3, v4  }
0x13d: {  	v4 =	vperm.xlane v3, v0;
	_ =	sdelay $0x1  }
0x13e: {  	v4 =	vadd.s32 v1, v4;
	_ =	sdelay $0x4  }
0x13f: {  	[tilespmem:s31], [sflag:$0x1] =	stream.indirect_vreg.gather [hbm4b:s3+s15], $0x80, v4, vm0, $0xb8;
	[tilespmem:$0x10080] =	vst v63  }
0x140: {  	v3 =	vperm.xlane v3, v2  }
0x141: {  	[tilespmem:s0], [sflag:$0x1] =	stream.indirect_vreg.gather [hbm4b:s6+s15], $0x80, v4, vm0, $0xb8;
	[tilespmem:$0x10080] =	vst v63  }
0x142: {  	v3 =	vadd.s32 v1, v3  }
0x143: {  	[tilespmem:s1], [sflag:$0x1] =	stream.indirect_vreg.gather [hbm4b:s7+s15], $0x80, v4, vm0, $0xb8;
	[tilespmem:$0x10080] =	vst v63  }
0x144: {  	_ = 	snop  }
0x145: {  	[tilespmem:s4], [sflag:$0x1] =	stream.indirect_vreg.gather [hbm4b:s8+s15], $0x80, v4, vm0, $0xb8;
	[tilespmem:$0x10080] =	vst v63  }
0x146: {  	_ = 	snop  }
0x147: {  	[tilespmem:s5], [sflag:$0x1] =	stream.indirect_vreg.gather [hbm4b:s3+s15], $0x80, v3, vm0, $0xb8;
	[tilespmem:$0x10080] =	vst v63  }
0x148: {  	_ = 	snop  }
0x149: {  	[tilespmem:s9], [sflag:$0x1] =	stream.indirect_vreg.gather [hbm4b:s6+s15], $0x80, v3, vm0, $0xb8;
	[tilespmem:$0x10080] =	vst v63  }
0x14a: {  	_ = 	snop  }
0x14b: {  	[tilespmem:s10], [sflag:$0x1] =	stream.indirect_vreg.gather [hbm4b:s7+s15], $0x80, v3, vm0, $0xb8;
	[tilespmem:$0x10080] =	vst v63  }
0x14c: {  	_ = 	snop  }
0x14d: {  	[tilespmem:s11], [sflag:$0x1] =	stream.indirect_vreg.gather [hbm4b:s8+s15], $0x80, v3, vm0, $0xb8;
	[tilespmem:$0x10080] =	vst v63  }
0x14e: {  	_ =	swait.ge [sflag:s12], $0x8000  }
0x14f: {  	[sflag:s12] =	ssyncset.done $0x0  }
0x150: {  	[sflag:s12] =	ssyncadd.s32 $0xFFFF8000  }
0x151: {  	s22 =	sand.u32 $0x6000, s15;
	s17 =	sand.u32 $0x1800, s15;
	_ =	swait.ge [sflag:s13], $0x8000  }
0x152: {  	s23 =	sand.u32 $0x380, s15;
	s16 =	sor.u32 s17, s22;
	[sflag:s13] =	ssyncset.done $0x0  }
0x153: {  	s16 =	sor.u32 s23, s16;
	[sflag:s13] =	ssyncadd.s32 $0xFFFF8000  }
0x154: {  	v3 =	vld [tilespmem:s16+$0x84F0]  }
0x155: {  	v4 =	vld [tilespmem:s16+$0x4F0]  }
0x156: {  	v5 =	vld [tilespmem:s16+$0x8080]  }
0x157: {  	v6 =	vld [tilespmem:s16+$0x80]  }
0x158: {  	v7 =	vld [tilespmem:s16+$0x8090]  }
0x159: {  	v8 =	vld [tilespmem:s16+$0x90]  }
0x15a: {  	v9 =	vld [tilespmem:s16+$0x80A0]  }
0x15b: {  	v10 =	vld [tilespmem:s16+$0xA0]  }
0x15c: {  	v11 =	vld [tilespmem:s16+$0x80B0]  }
0x15d: {  	v12 =	vld [tilespmem:s16+$0xB0]  }
0x15e: {  	v13 =	vld [tilespmem:s16+$0x80C0]  }
0x15f: {  	v14 =	vld [tilespmem:s16+$0xC0]  }
0x160: {  	v15 =	vld [tilespmem:s16+$0x80D0]  }
0x161: {  	v16 =	vld [tilespmem:s16+$0xD0]  }
0x162: {  	v17 =	vld [tilespmem:s16+$0x80E0]  }
0x163: {  	v18 =	vld [tilespmem:s16+$0xE0]  }
0x164: {  	v3 =	vadd.f32 v4, v3;
	v4 =	vld [tilespmem:s16+$0x80F0]  }
0x165: {  	v5 =	vadd.f32 v6, v5;
	v6 =	vld [tilespmem:s16+$0xF0]  }
0x166: {  	[tilespmem:s16+$0x84F0] =	vst v3;
	v3 =	vadd.f32 v8, v7;
	v7 =	vld [tilespmem:s16+$0x8480]  }
0x167: {  	[tilespmem:s16+$0x8080] =	vst v5;
	v5 =	vadd.f32 v10, v9;
	v8 =	vld [tilespmem:s16+$0x480]  }
0x168: {  	v9 =	vld [tilespmem:s16+$0x8490];
	[tilespmem:s16+$0x8090] =	vst v3;
	v3 =	vadd.f32 v12, v11  }
0x169: {  	v10 =	vld [tilespmem:s16+$0x490];
	[tilespmem:s16+$0x80A0] =	vst v5;
	v5 =	vadd.f32 v14, v13  }
0x16a: {  	v63 =	vld [tilespmem:s16+$0x4A0];
	[tilespmem:s16+$0x80B0] =	vst v3;
	v3 =	vadd.f32 v16, v15  }
0x16b: {  	v11 =	vld [tilespmem:s16+$0x84A0];
	[tilespmem:s16+$0x80C0] =	vst v5;
	v5 =	vadd.f32 v18, v17  }
0x16c: {  	v4 =	vadd.f32 v6, v4;
	[tilespmem:s16+$0x80D0] =	vst v3;
	v3 =	vld [tilespmem:s16+$0x84B0]  }
0x16d: {  	v6 =	vadd.f32 v8, v7;
	[tilespmem:s16+$0x80E0] =	vst v5;
	v5 =	vld [tilespmem:s16+$0x4B0]  }
0x16e: {  	[tilespmem:s16+$0x80F0] =	vst v4;
	v7 =	vadd.f32 v10, v9;
	v4 =	vld [tilespmem:s16+$0x84C0]  }
0x16f: {  	[tilespmem:s16+$0x8480] =	vst v6;
	v6 =	vld [tilespmem:s16+$0x4C0]  }
0x170: {  	s17 =	simm.s32 $0x0;
	s18 =	simm.s32 $0x800;
	s19 =	simm.s32 $0x100;
	[tilespmem:s16+$0x8490] =	vst v7;
	v8 =	vadd.f32 v63, v11;
	v7 =	vld [tilespmem:s16+$0x84D0]  }
.LBB2_6:
0x171: {  	s22 =	sand.u32 $0x6000, s19;
	s23 =	sand.u32 $0x1800, s18;
	v9 =	vld [tilespmem:s16+$0x4D0];
	s15 =	sadd.s32 $0x20, s15  }
0x172: {  	s17 =	sadd.s32 $0x10, s17;
	s22 =	sor.u32 s23, s22;
	s23 =	sand.u32 $0x380, s15;
	[tilespmem:s16+$0x84A0] =	vst v8;
	v3 =	vadd.f32 v5, v3;
	v5 =	vld [tilespmem:s16+$0x84E0]  }
0x173: {  	p0 =	slt.u32 s17, $0x7F0;
	s22 =	sor.u32 s23, s22;
	v8 =	vld [tilespmem:s16+$0x4E0]  }
0x174: {  	v10 =	vld [tilespmem:s22+$0x84F0];
	[tilespmem:s16+$0x84B0] =	vst v3;
	v3 =	vadd.f32 v6, v4  }
0x175: {  	v4 =	vld [tilespmem:s22+$0x4F0]  }
0x176: {  	v6 =	vld [tilespmem:s22+$0x8080];
	[tilespmem:s16+$0x84C0] =	vst v3;
	v3 =	vadd.f32 v9, v7  }
0x177: {  	v7 =	vld [tilespmem:s22+$0x80]  }
0x178: {  	v9 =	vld [tilespmem:s22+$0x8090];
	[tilespmem:s16+$0x84D0] =	vst v3;
	v3 =	vadd.f32 v8, v5  }
0x179: {  	v5 =	vld [tilespmem:s22+$0x90]  }
0x17a: {  	v8 =	vld [tilespmem:s22+$0x80A0];
	v4 =	vadd.f32 v4, v10;
	[tilespmem:s16+$0x84E0] =	vst v3;
	s16 =	smov.u32 s22  }
0x17b: {  	v3 =	vld [tilespmem:s16+$0xA0]  }
0x17c: {  	v6 =	vadd.f32 v7, v6;
	v7 =	vld [tilespmem:s16+$0x80B0];
	[tilespmem:s16+$0x84F0] =	vst v4  }
0x17d: {  	v4 =	vld [tilespmem:s16+$0xB0]  }
0x17e: {  	[tilespmem:s16+$0x8080] =	vst v6;
	v5 =	vadd.f32 v5, v9;
	v6 =	vld [tilespmem:s16+$0x80C0]  }
0x17f: {  	v9 =	vld [tilespmem:s16+$0xC0]  }
0x180: {  	[tilespmem:s16+$0x8090] =	vst v5;
	v3 =	vadd.f32 v3, v8;
	v5 =	vld [tilespmem:s16+$0x80D0]  }
0x181: {  	v8 =	vld [tilespmem:s16+$0xD0]  }
0x182: {  	[tilespmem:s16+$0x80A0] =	vst v3;
	v3 =	vadd.f32 v4, v7;
	v4 =	vld [tilespmem:s16+$0x80E0]  }
0x183: {  	v7 =	vld [tilespmem:s16+$0xE0]  }
0x184: {  	[tilespmem:s16+$0x80B0] =	vst v3;
	v3 =	vadd.f32 v9, v6;
	v6 =	vld [tilespmem:s16+$0x80F0]  }
0x185: {  	v9 =	vld [tilespmem:s16+$0xF0]  }
0x186: {  	[tilespmem:s16+$0x80C0] =	vst v3;
	v3 =	vadd.f32 v8, v5;
	v5 =	vld [tilespmem:s16+$0x8480]  }
0x187: {  	v8 =	vld [tilespmem:s16+$0x480]  }
0x188: {  	[tilespmem:s16+$0x80D0] =	vst v3;
	v3 =	vadd.f32 v7, v4;
	v4 =	vld [tilespmem:s16+$0x8490]  }
0x189: {  	v7 =	vld [tilespmem:s16+$0x490]  }
0x18a: {  	[tilespmem:s16+$0x80E0] =	vst v3;
	v3 =	vadd.f32 v9, v6;
	v9 =	vld [tilespmem:s16+$0x84A0]  }
0x18b: {  	v10 =	vld [tilespmem:s16+$0x4A0]  }
.Ltmp2:
0x18c: {  	[tilespmem:s16+$0x80F0] =	vst v3;
	v6 =	vadd.f32 v8, v5;
	v3 =	vld [tilespmem:s16+$0x84B0];
	(pc) =	sbr.rel @p0 .LBB2_6-.Ltmp2, $4  }
0x18d: {  	v5 =	vld [tilespmem:s16+$0x4B0]  }
0x18e: {  	[tilespmem:s16+$0x8480] =	vst v6;
	v7 =	vadd.f32 v7, v4;
	v4 =	vld [tilespmem:s16+$0x84C0]  }
0x18f: {  	v6 =	vld [tilespmem:s16+$0x4C0]  }
0x190: {  	s18 =	sadd.s32 $0x800, s18;
	s19 =	sadd.s32 $0x100, s19;
	[tilespmem:s16+$0x8490] =	vst v7;
	v8 =	vadd.f32 v10, v9;
	v7 =	vld [tilespmem:s16+$0x84D0]  }
0x191: {  	v9 =	vld [tilespmem:s16+$0x4D0]  }
0x192: {  	v10 =	vld [tilespmem:s16+$0x84E0]  }
0x193: {  	v11 =	vld [tilespmem:s16+$0x4E0];
	_ =	sdelay $0x1  }
0x194: {  	v3 =	vadd.f32 v5, v3  }
0x195: {  	[tilespmem:s16+$0x84A0] =	vst v8;
	v4 =	vadd.f32 v6, v4  }
0x196: {  	[tilespmem:s16+$0x84B0] =	vst v3;
	v3 =	vadd.f32 v9, v7  }
0x197: {  	[tilespmem:s16+$0x84C0] =	vst v4;
	v4 =	vadd.f32 v11, v10  }
0x198: {  	[tilespmem:s16+$0x84D0] =	vst v3  }
0x199: {  	[tilespmem:s16+$0x84E0] =	vst v4  }
0x19a: {  	s15 =	simm.s32 $0x0;
	s16 =	rddreg [dreg:$0xb]  }
0x19b: {  	[hbm4b:s16+s15] =	stream.linear.scatter [tilespmem:s21], [sflag:$0x3], $0x8000, $0x38;
	[tilespmem:$0x10080] =	vst v63  }
0x19c: {  	_ =	swait.ge [sflag:s20], $0x8000  }
0x19d: {  	[sflag:s20] =	ssyncset.done $0x0  }
0x19e: {  	s23 =	rddreg [dreg:$0xc];
	[sflag:s20] =	ssyncadd.s32 $0xFFFF8000  }
0x19f: {  	[tilespmem:s15], [sflag:$0x3] =	stream.linear.gather [hbm4b:s23+s15], $0x20, $0x38;
	[tilespmem:$0x10080] =	vst v63  }
0x1a0: {  	_ =	swait.ge [sflag:s20], $0x20  }
0x1a1: {  	[sflag:s20] =	ssyncset.done $0x0  }
0x1a2: {  	s17 =	rddreg [dreg:$0xd];
	[sflag:s20] =	ssyncadd.s32 $0xFFFFFFE0  }
0x1a3: {  	[tilespmem:s21], [sflag:$0x2] =	stream.linear.gather [hbm4b:s17+s15], $0x8000, $0x38;
	[tilespmem:$0x10080] =	vst v63  }
0x1a4: {  	v3 =	vld [tilespmem:$0x0];
	_ =	sdelay $0x4  }
0x1a5: {  	v4 =	vshll.u32 v3, $0x3  }
0x1a6: {  	v3 =	vand.u32 $0x7, v3;
	v4 =	vand.u32 $0xFFFFFFC0, v4  }
0x1a7: {  	v3 =	vor.u32 v3, v4  }
0x1a8: {  	v4 =	vperm.xlane v3, v0;
	_ =	sdelay $0x1  }
0x1a9: {  	v4 =	vadd.s32 v1, v4;
	_ =	sdelay $0x3  }
0x1aa: {  	s18 =	simm.s32 $0x80  }
0x1ab: {  	[tilespmem:s18], [sflag:$0x1] =	stream.indirect_vreg.gather [hbm4b:s3+s15], $0x80, v4, vm0, $0xb8;
	[tilespmem:$0x10080] =	vst v63  }
0x1ac: {  	s19 =	simm.s32 $0x880;
	v3 =	vperm.xlane v3, v2  }
0x1ad: {  	[tilespmem:s19], [sflag:$0x1] =	stream.indirect_vreg.gather [hbm4b:s6+s15], $0x80, v4, vm0, $0xb8;
	[tilespmem:$0x10080] =	vst v63  }
0x1ae: {  	v3 =	vadd.s32 v1, v3  }
0x1af: {  	[tilespmem:s24], [sflag:$0x1] =	stream.indirect_vreg.gather [hbm4b:s7+s15], $0x80, v4, vm0, $0xb8;
	[tilespmem:$0x10080] =	vst v63  }
0x1b0: {  	_ = 	snop  }
0x1b1: {  	[tilespmem:s25], [sflag:$0x1] =	stream.indirect_vreg.gather [hbm4b:s8+s15], $0x80, v4, vm0, $0xb8;
	[tilespmem:$0x10080] =	vst v63  }
0x1b2: {  	_ = 	snop  }
0x1b3: {  	[tilespmem:s26], [sflag:$0x1] =	stream.indirect_vreg.gather [hbm4b:s3+s15], $0x80, v3, vm0, $0xb8;
	[tilespmem:$0x10080] =	vst v63  }
0x1b4: {  	_ = 	snop  }
0x1b5: {  	[tilespmem:s28], [sflag:$0x1] =	stream.indirect_vreg.gather [hbm4b:s6+s15], $0x80, v3, vm0, $0xb8;
	[tilespmem:$0x10080] =	vst v63  }
0x1b6: {  	_ = 	snop  }
0x1b7: {  	[tilespmem:s29], [sflag:$0x1] =	stream.indirect_vreg.gather [hbm4b:s7+s15], $0x80, v3, vm0, $0xb8;
	[tilespmem:$0x10080] =	vst v63  }
0x1b8: {  	_ = 	snop  }
0x1b9: {  	[tilespmem:s30], [sflag:$0x1] =	stream.indirect_vreg.gather [hbm4b:s8+s15], $0x80, v3, vm0, $0xb8;
	[tilespmem:$0x10080] =	vst v63  }
0x1ba: {  	v3 =	vld [tilespmem:$0x10];
	_ =	sdelay $0x4  }
0x1bb: {  	v4 =	vshll.u32 v3, $0x3  }
0x1bc: {  	v3 =	vand.u32 $0x7, v3;
	v4 =	vand.u32 $0xFFFFFFC0, v4  }
0x1bd: {  	v3 =	vor.u32 v3, v4  }
0x1be: {  	v4 =	vperm.xlane v3, v0;
	_ =	sdelay $0x1  }
0x1bf: {  	v4 =	vadd.s32 v1, v4;
	_ =	sdelay $0x4  }
0x1c0: {  	[tilespmem:s31], [sflag:$0x1] =	stream.indirect_vreg.gather [hbm4b:s3+s15], $0x80, v4, vm0, $0xb8;
	[tilespmem:$0x10080] =	vst v63  }
0x1c1: {  	v3 =	vperm.xlane v3, v2  }
0x1c2: {  	[tilespmem:s0], [sflag:$0x1] =	stream.indirect_vreg.gather [hbm4b:s6+s15], $0x80, v4, vm0, $0xb8;
	[tilespmem:$0x10080] =	vst v63  }
0x1c3: {  	v3 =	vadd.s32 v1, v3  }
0x1c4: {  	[tilespmem:s1], [sflag:$0x1] =	stream.indirect_vreg.gather [hbm4b:s7+s15], $0x80, v4, vm0, $0xb8;
	[tilespmem:$0x10080] =	vst v63  }
0x1c5: {  	_ = 	snop  }
0x1c6: {  	[tilespmem:s4], [sflag:$0x1] =	stream.indirect_vreg.gather [hbm4b:s8+s15], $0x80, v4, vm0, $0xb8;
	[tilespmem:$0x10080] =	vst v63  }
0x1c7: {  	_ = 	snop  }
0x1c8: {  	[tilespmem:s5], [sflag:$0x1] =	stream.indirect_vreg.gather [hbm4b:s3+s15], $0x80, v3, vm0, $0xb8;
	[tilespmem:$0x10080] =	vst v63  }
0x1c9: {  	_ = 	snop  }
0x1ca: {  	[tilespmem:s9], [sflag:$0x1] =	stream.indirect_vreg.gather [hbm4b:s6+s15], $0x80, v3, vm0, $0xb8;
	[tilespmem:$0x10080] =	vst v63  }
0x1cb: {  	_ = 	snop  }
0x1cc: {  	[tilespmem:s10], [sflag:$0x1] =	stream.indirect_vreg.gather [hbm4b:s7+s15], $0x80, v3, vm0, $0xb8;
	[tilespmem:$0x10080] =	vst v63  }
0x1cd: {  	_ = 	snop  }
0x1ce: {  	[tilespmem:s11], [sflag:$0x1] =	stream.indirect_vreg.gather [hbm4b:s8+s15], $0x80, v3, vm0, $0xb8;
	[tilespmem:$0x10080] =	vst v63  }
0x1cf: {  	_ =	swait.ge [sflag:s12], $0x8000  }
0x1d0: {  	[sflag:s12] =	ssyncset.done $0x0  }
0x1d1: {  	[sflag:s12] =	ssyncadd.s32 $0xFFFF8000  }
0x1d2: {  	s22 =	sand.u32 $0x6000, s15;
	s17 =	sand.u32 $0x1800, s15;
	_ =	swait.ge [sflag:s13], $0x8000  }
0x1d3: {  	s23 =	sand.u32 $0x380, s15;
	s16 =	sor.u32 s17, s22;
	[sflag:s13] =	ssyncset.done $0x0  }
0x1d4: {  	s16 =	sor.u32 s23, s16;
	[sflag:s13] =	ssyncadd.s32 $0xFFFF8000  }
0x1d5: {  	v3 =	vld [tilespmem:s16+$0x84F0]  }
0x1d6: {  	v4 =	vld [tilespmem:s16+$0x4F0]  }
0x1d7: {  	v5 =	vld [tilespmem:s16+$0x8080]  }
0x1d8: {  	v6 =	vld [tilespmem:s16+$0x80]  }
0x1d9: {  	v7 =	vld [tilespmem:s16+$0x8090]  }
0x1da: {  	v8 =	vld [tilespmem:s16+$0x90]  }
0x1db: {  	v9 =	vld [tilespmem:s16+$0x80A0]  }
0x1dc: {  	v10 =	vld [tilespmem:s16+$0xA0]  }
0x1dd: {  	v11 =	vld [tilespmem:s16+$0x80B0]  }
0x1de: {  	v12 =	vld [tilespmem:s16+$0xB0]  }
0x1df: {  	v13 =	vld [tilespmem:s16+$0x80C0]  }
0x1e0: {  	v14 =	vld [tilespmem:s16+$0xC0]  }
0x1e1: {  	v15 =	vld [tilespmem:s16+$0x80D0]  }
0x1e2: {  	v16 =	vld [tilespmem:s16+$0xD0]  }
0x1e3: {  	v17 =	vld [tilespmem:s16+$0x80E0]  }
0x1e4: {  	v18 =	vld [tilespmem:s16+$0xE0]  }
0x1e5: {  	v3 =	vadd.f32 v4, v3;
	v4 =	vld [tilespmem:s16+$0x80F0]  }
0x1e6: {  	v5 =	vadd.f32 v6, v5;
	v6 =	vld [tilespmem:s16+$0xF0]  }
0x1e7: {  	[tilespmem:s16+$0x84F0] =	vst v3;
	v3 =	vadd.f32 v8, v7;
	v7 =	vld [tilespmem:s16+$0x8480]  }
0x1e8: {  	[tilespmem:s16+$0x8080] =	vst v5;
	v5 =	vadd.f32 v10, v9;
	v8 =	vld [tilespmem:s16+$0x480]  }
0x1e9: {  	v9 =	vld [tilespmem:s16+$0x8490];
	[tilespmem:s16+$0x8090] =	vst v3;
	v3 =	vadd.f32 v12, v11  }
0x1ea: {  	v10 =	vld [tilespmem:s16+$0x490];
	[tilespmem:s16+$0x80A0] =	vst v5;
	v5 =	vadd.f32 v14, v13  }
0x1eb: {  	v63 =	vld [tilespmem:s16+$0x4A0];
	[tilespmem:s16+$0x80B0] =	vst v3;
	v3 =	vadd.f32 v16, v15  }
0x1ec: {  	v11 =	vld [tilespmem:s16+$0x84A0];
	[tilespmem:s16+$0x80C0] =	vst v5;
	v5 =	vadd.f32 v18, v17  }
0x1ed: {  	v4 =	vadd.f32 v6, v4;
	[tilespmem:s16+$0x80D0] =	vst v3;
	v3 =	vld [tilespmem:s16+$0x84B0]  }
0x1ee: {  	v6 =	vadd.f32 v8, v7;
	[tilespmem:s16+$0x80E0] =	vst v5;
	v5 =	vld [tilespmem:s16+$0x4B0]  }
0x1ef: {  	[tilespmem:s16+$0x80F0] =	vst v4;
	v7 =	vadd.f32 v10, v9;
	v4 =	vld [tilespmem:s16+$0x84C0]  }
0x1f0: {  	[tilespmem:s16+$0x8480] =	vst v6;
	v6 =	vld [tilespmem:s16+$0x4C0]  }
0x1f1: {  	s17 =	simm.s32 $0x0;
	s18 =	simm.s32 $0x800;
	s19 =	simm.s32 $0x100;
	[tilespmem:s16+$0x8490] =	vst v7;
	v8 =	vadd.f32 v63, v11;
	v7 =	vld [tilespmem:s16+$0x84D0]  }
.LBB2_8:
0x1f2: {  	s22 =	sand.u32 $0x6000, s19;
	s23 =	sand.u32 $0x1800, s18;
	v9 =	vld [tilespmem:s16+$0x4D0];
	s15 =	sadd.s32 $0x20, s15  }
0x1f3: {  	s17 =	sadd.s32 $0x10, s17;
	s22 =	sor.u32 s23, s22;
	s23 =	sand.u32 $0x380, s15;
	[tilespmem:s16+$0x84A0] =	vst v8;
	v3 =	vadd.f32 v5, v3;
	v5 =	vld [tilespmem:s16+$0x84E0]  }
0x1f4: {  	p0 =	slt.u32 s17, $0x7F0;
	s22 =	sor.u32 s23, s22;
	v8 =	vld [tilespmem:s16+$0x4E0]  }
0x1f5: {  	v10 =	vld [tilespmem:s22+$0x84F0];
	[tilespmem:s16+$0x84B0] =	vst v3;
	v3 =	vadd.f32 v6, v4  }
0x1f6: {  	v4 =	vld [tilespmem:s22+$0x4F0]  }
0x1f7: {  	v6 =	vld [tilespmem:s22+$0x8080];
	[tilespmem:s16+$0x84C0] =	vst v3;
	v3 =	vadd.f32 v9, v7  }
0x1f8: {  	v7 =	vld [tilespmem:s22+$0x80]  }
0x1f9: {  	v9 =	vld [tilespmem:s22+$0x8090];
	[tilespmem:s16+$0x84D0] =	vst v3;
	v3 =	vadd.f32 v8, v5  }
0x1fa: {  	v5 =	vld [tilespmem:s22+$0x90]  }
0x1fb: {  	v8 =	vld [tilespmem:s22+$0x80A0];
	v4 =	vadd.f32 v4, v10;
	[tilespmem:s16+$0x84E0] =	vst v3;
	s16 =	smov.u32 s22  }
0x1fc: {  	v3 =	vld [tilespmem:s16+$0xA0]  }
0x1fd: {  	v6 =	vadd.f32 v7, v6;
	v7 =	vld [tilespmem:s16+$0x80B0];
	[tilespmem:s16+$0x84F0] =	vst v4  }
0x1fe: {  	v4 =	vld [tilespmem:s16+$0xB0]  }
0x1ff: {  	[tilespmem:s16+$0x8080] =	vst v6;
	v5 =	vadd.f32 v5, v9;
	v6 =	vld [tilespmem:s16+$0x80C0]  }
0x200: {  	v9 =	vld [tilespmem:s16+$0xC0]  }
0x201: {  	[tilespmem:s16+$0x8090] =	vst v5;
	v3 =	vadd.f32 v3, v8;
	v5 =	vld [tilespmem:s16+$0x80D0]  }
0x202: {  	v8 =	vld [tilespmem:s16+$0xD0]  }
0x203: {  	[tilespmem:s16+$0x80A0] =	vst v3;
	v3 =	vadd.f32 v4, v7;
	v4 =	vld [tilespmem:s16+$0x80E0]  }
0x204: {  	v7 =	vld [tilespmem:s16+$0xE0]  }
0x205: {  	[tilespmem:s16+$0x80B0] =	vst v3;
	v3 =	vadd.f32 v9, v6;
	v6 =	vld [tilespmem:s16+$0x80F0]  }
0x206: {  	v9 =	vld [tilespmem:s16+$0xF0]  }
0x207: {  	[tilespmem:s16+$0x80C0] =	vst v3;
	v3 =	vadd.f32 v8, v5;
	v5 =	vld [tilespmem:s16+$0x8480]  }
0x208: {  	v8 =	vld [tilespmem:s16+$0x480]  }
0x209: {  	[tilespmem:s16+$0x80D0] =	vst v3;
	v3 =	vadd.f32 v7, v4;
	v4 =	vld [tilespmem:s16+$0x8490]  }
0x20a: {  	v7 =	vld [tilespmem:s16+$0x490]  }
0x20b: {  	[tilespmem:s16+$0x80E0] =	vst v3;
	v3 =	vadd.f32 v9, v6;
	v9 =	vld [tilespmem:s16+$0x84A0]  }
0x20c: {  	v10 =	vld [tilespmem:s16+$0x4A0]  }
.Ltmp3:
0x20d: {  	[tilespmem:s16+$0x80F0] =	vst v3;
	v6 =	vadd.f32 v8, v5;
	v3 =	vld [tilespmem:s16+$0x84B0];
	(pc) =	sbr.rel @p0 .LBB2_8-.Ltmp3, $4  }
0x20e: {  	v5 =	vld [tilespmem:s16+$0x4B0]  }
0x20f: {  	[tilespmem:s16+$0x8480] =	vst v6;
	v7 =	vadd.f32 v7, v4;
	v4 =	vld [tilespmem:s16+$0x84C0]  }
0x210: {  	v6 =	vld [tilespmem:s16+$0x4C0]  }
0x211: {  	s18 =	sadd.s32 $0x800, s18;
	s19 =	sadd.s32 $0x100, s19;
	[tilespmem:s16+$0x8490] =	vst v7;
	v8 =	vadd.f32 v10, v9;
	v7 =	vld [tilespmem:s16+$0x84D0]  }
0x212: {  	v9 =	vld [tilespmem:s16+$0x4D0]  }
0x213: {  	v10 =	vld [tilespmem:s16+$0x84E0]  }
0x214: {  	v11 =	vld [tilespmem:s16+$0x4E0];
	_ =	sdelay $0x1  }
0x215: {  	v3 =	vadd.f32 v5, v3  }
0x216: {  	[tilespmem:s16+$0x84A0] =	vst v8;
	v4 =	vadd.f32 v6, v4  }
0x217: {  	[tilespmem:s16+$0x84B0] =	vst v3;
	v3 =	vadd.f32 v9, v7  }
0x218: {  	[tilespmem:s16+$0x84C0] =	vst v4;
	v63 =	vadd.f32 v11, v10  }
0x219: {  	[tilespmem:s16+$0x84D0] =	vst v3  }
0x21a: {  	[tilespmem:s16+$0x84E0] =	vst v63  }
0x21b: {  	s15 =	rddreg [dreg:$0xe]  }
0x21c: {  	[hbm4b:s15+s2] =	stream.linear.scatter [tilespmem:s21], [sflag:$0x3], $0x8000, $0x38;
	[tilespmem:$0x10080] =	vst v63  }
0x21d: {  	_ =	swait.ge [sflag:s20], $0x8000  }
0x21e: {  	s14 =	sadd.s32 $0x1, s14;
	s23 =	rddreg [dreg:$0xf]  }
0x21f: {  	p0 =	sne.s32 s14, s23  }
.Ltmp4:
0x220: {  	_ = 	snop;
	(pc) =	sbr.rel @p0 .LBB2_1-.Ltmp4, $3  }
0x221: {  	_ =	sdelay $0x1  }
0x222: {  	[sflag:s20] =	ssyncset.done $0x0  }
0x223: {  	[sflag:s20] =	ssyncadd.s32 $0xFFFF8000  }
0x224: {  	_ =	sfence.sel $0x180000  }
0x225: {  	[bflag:$0x0] =	sbarrier.arrive $0xFFFF  }
0x226: {  	_ =	strace $0x9000004A  }
0x227: {  	s0 =	stileid.u32;
	[bflag:$0x2] =	sbarrier.arrive $0xFFFF  }
0x228: {  	p0 =	sne.s32 s0, $0x0;
	s0 =	rddreg [dreg:$0x2]  }
0x229: {  	s0 =	sadd.s32 @!p0 $0x100000, s0  }
0x22a: {  	[sflag:s0] =	ssyncadd.tile.s32 @!p0 $0x1;
	_ =	shalt  }
.Lfunc_end2:
_tile_overlayer_lowered:
.L_overlay_start_2:
0x22b: {  	(tag) =	ssettag $0x2  }
0x22c: {  	s0 =	rddreg [dreg:$0x0];
	s2 =	stileid.u32  }
0x22d: {  	s1 =	rddreg [dreg:$0x1];
	p0 =	sne.s32 s2, $0x0  }
0x22e: {  	s3 =	rddreg [dreg:$0x2];
	[bflag:$0x3] =	sbarrier.arrive $0xFFFF;
	s2 =	simm.s32 @!p0 $0x1C03  }
0x22f: {  	[timem:s3], [sflag:s2] =	dma.local @!p0 [hbm:s0], s1  }
0x230: {  	s0 =	simm.s32 @!p0 $0x3  }
0x231: {  	_ =	swait.ge @!p0 [sflag:s0], s1  }
0x232: {  	s1 =	ssub.s32 @!p0 $0x0, s1;
	[sflag:s0] =	ssyncset.done @!p0 $0x0  }
0x233: {  	[sflag:s0] =	ssyncadd.s32 @!p0 s1  }
0x234: {  	[bflag:$0x3] =	sbarrier.arrive $0xFFFF  }
0x235: {  	_ =	shalt  }

// kernel: kernel.7.cloned.1.call-start
scs
__scs_entry_jumppad:
0x0: {  	(pc) =	sbr.rel $0x88, $3  }
0x1: {  	(tag) =	ssettag $0x0;
	lr =	simm.s32 $0x1  }
0x2: {  	[smem:$0x3F98] =	sst lr;
	_ =	strace $0xD0000000  }
0x3: {  	_ = 	snop  }
0x4: {  	_ = 	snop  }
0x5: {  	_ = 	snop  }
0x6: {  	_ = 	snop  }
0x7: {  	_ = 	snop  }
__scs_overlays_trampoline_lowered:
0x8: {  	[smem:$0x3FA7] =	sst s0  }
0x9: {  	[smem:$0x3FA8] =	sst s1  }
0xa: {  	[smem:$0x3FA9] =	sst s2  }
0xb: {  	[smem:$0x3FAA] =	sst s3  }
0xc: {  	[smem:$0x3FAB] =	sst s4  }
0xd: {  	[smem:$0x3FAC] =	sst s5  }
0xe: {  	[smem:$0x3FAD] =	sst s6  }
0xf: {  	[smem:$0x3FAE] =	sst s7  }
0x10: {  	[smem:$0x3FAF] =	sst s8  }
0x11: {  	[smem:$0x3FB0] =	sst s9;
	s0 =	simm.s32 @!p0 $0x0  }
0x12: {  	s1 =	sld [smem:$0x3F96];
	s0 =	simm.s32 @p0 $0x1  }
0x13: {  	[smem:$0x3FB1] =	sst s0;
	s0 =	simm.s32 @!p1 $0x0  }
0x14: {  	s2 =	sld [smem:$0x3F95];
	s0 =	simm.s32 @p1 $0x1  }
0x15: {  	[smem:$0x3FB2] =	sst s0;
	s0 =	simm.s32 @!p2 $0x0  }
0x16: {  	s3 =	sld [smem:$0x3FDB];
	s0 =	simm.s32 @p2 $0x1  }
0x17: {  	s4 =	simm.s32 $0x1BF5;
	[smem:$0x3FB4] =	sst s0  }
0x18: {  	s0 =	sld [smem:$0x3F97];
	_ =	swait.ge [sflag:s4], $0x0  }
0x19: {  	s7 =	sld [smem:$0x3F98]  }
0x1a: {  	s8 =	sadd.s32 $0xFFFFE003, lr  }
0x1b: {  	s9 =	sadd.s32 $0xFFFFFEF7, lr;
	s5 =	simm.s32 $0xFFFFFFFF;
	p2 =	slt.u32 s8, $0xFFFFF086  }
0x1c: {  	p1 =	slt.u32 s9, $0xF7A;
	s5 =	simm.s32 @!p2 $0x0  }
0x1d: {  	s5 =	simm.s32 @p1 $0x1;
	p0 =	seq.s32 s7, s2  }
0x1e: {  	s7 =	smul.u32 @!p0 $0xF7A, s2;
	p2 =	seq.s32 @!p0 s5, $0x0  }
0x1f: {  	s9 =	smul.u32 $0xF7A, s1;
	s8 =	simm.s32 @!p0 $0x1BF5;
	p2 =	por !p2, p0  }
0x20: {  	[sflag:s8] =	ssyncset.s32 @!p0 $0xFFFFF086;
	s6 =	sadd.s32 @!p0 s3, s7;
	s7 =	simm.s32 @!p0 $0x108  }
0x21: {  	s3 =	sadd.s32 s3, s9;
	s6 =	sadd.s32 @!p0 $0x88, s6;
	s7 =	simm.s32 @p2 $0x1082  }
0x22: {  	[simem:s7], [sflag:s8] =	dma.local @!p0 [hbm:s6], $0xF7A  }
0x23: {  	s9 =	sor.u32 $0xD0000000, s2;
	s6 =	simm.s32 $0x108;
	_ =	swait.ge @!p0 [sflag:s8], $0x0  }
0x24: {  	s3 =	sadd.s32 $0x88, s3;
	s6 =	simm.s32 @!p1 $0x1082;
	[sflag:s4] =	ssyncset.s32 $0xFFFFF086  }
0x25: {  	[simem:s6], [sflag:s4] =	dma.local [hbm:s3], $0xF7A  }
0x26: {  	[smem:$0x3F98] =	sst s1;
	(tag) =	ssettag s2;
	_ =	strace s9  }
0x27: {  	s1 =	sld [smem:$0x3FA8]  }
0x28: {  	s2 =	sld [smem:$0x3FA9]  }
0x29: {  	s4 =	sld [smem:$0x3FAB]  }
0x2a: {  	p0 =	seq.s32 s5, $0x0;
	s5 =	sld [smem:$0x3FAC]  }
0x2b: {  	s6 =	sld [smem:$0x3FAD]  }
0x2c: {  	s7 =	sld [smem:$0x3FAE]  }
0x2d: {  	s3 =	simm.s32 $0x108;
	s8 =	sld [smem:$0x3FAF]  }
0x2e: {  	s3 =	simm.s32 @!p0 $0x1082;
	s9 =	sld [smem:$0x3FB0]  }
0x2f: {  	lr =	sadd.s32 s0, s3;
	s0 =	sld [smem:$0x3FA7]  }
0x30: {  	s3 =	sld [smem:$0x3FAA]  }
0x31: {  	[smem:$0x3FB3] =	sst s10  }
0x32: {  	s10 =	sld [smem:$0x3FB1];
	_ =	sdelay $0x3  }
0x33: {  	p0 =	seq.s32 s10, $0x1;
	s10 =	sld [smem:$0x3FB3];
	_ =	sdelay $0x3  }
0x34: {  	[smem:$0x3FB3] =	sst s10  }
0x35: {  	s10 =	sld [smem:$0x3FB2];
	_ =	sdelay $0x3  }
0x36: {  	p1 =	seq.s32 s10, $0x1;
	s10 =	sld [smem:$0x3FB3];
	_ =	sdelay $0x3  }
0x37: {  	[smem:$0x3FB3] =	sst s10  }
0x38: {  	s10 =	sld [smem:$0x3FB4]  }
0x39: {  	_ = 	snop;
	(pc) =	sbr.ind lr, $3  }
0x3a: {  	_ = 	snop  }
0x3b: {  	_ = 	snop  }
0x3c: {  	p2 =	seq.s32 s10, $0x1;
	s10 =	sld [smem:$0x3FB3]  }
0x3d: {  	_ =	shalt  }
0x3e: {  	_ =	shalt  }
0x3f: {  	_ =	shalt  }
0x40: {  	_ =	shalt  }
0x41: {  	_ =	shalt  }
0x42: {  	_ =	shalt  }
0x43: {  	_ =	shalt  }
0x44: {  	_ =	shalt  }
0x45: {  	_ =	shalt  }
0x46: {  	_ =	shalt  }
0x47: {  	_ =	shalt  }
0x48: {  	_ =	shalt  }
0x49: {  	_ =	shalt  }
0x4a: {  	_ =	shalt  }
0x4b: {  	_ =	shalt  }
0x4c: {  	_ =	shalt  }
0x4d: {  	_ =	shalt  }
0x4e: {  	_ =	shalt  }
0x4f: {  	_ =	shalt  }
0x50: {  	_ =	shalt  }
0x51: {  	_ =	shalt  }
0x52: {  	_ =	shalt  }
0x53: {  	_ =	shalt  }
0x54: {  	_ =	shalt  }
0x55: {  	_ =	shalt  }
0x56: {  	_ =	shalt  }
0x57: {  	_ =	shalt  }
0x58: {  	_ =	shalt  }
0x59: {  	_ =	shalt  }
0x5a: {  	_ =	shalt  }
0x5b: {  	_ =	shalt  }
0x5c: {  	_ =	shalt  }
0x5d: {  	_ =	shalt  }
0x5e: {  	_ =	shalt  }
0x5f: {  	_ =	shalt  }
0x60: {  	_ =	shalt  }
0x61: {  	_ =	shalt  }
0x62: {  	_ =	shalt  }
0x63: {  	_ =	shalt  }
0x64: {  	_ =	shalt  }
0x65: {  	_ =	shalt  }
0x66: {  	_ =	shalt  }
0x67: {  	_ =	shalt  }
0x68: {  	_ =	shalt  }
0x69: {  	_ =	shalt  }
0x6a: {  	_ =	shalt  }
0x6b: {  	_ =	shalt  }
0x6c: {  	_ =	shalt  }
0x6d: {  	_ =	shalt  }
0x6e: {  	_ =	shalt  }
0x6f: {  	_ =	shalt  }
0x70: {  	_ =	shalt  }
0x71: {  	_ =	shalt  }
0x72: {  	_ =	shalt  }
0x73: {  	_ =	shalt  }
0x74: {  	_ =	shalt  }
0x75: {  	_ =	shalt  }
0x76: {  	_ =	shalt  }
0x77: {  	_ =	shalt  }
0x78: {  	_ =	shalt  }
0x79: {  	_ =	shalt  }
0x7a: {  	_ =	shalt  }
0x7b: {  	_ =	shalt  }
0x7c: {  	_ =	shalt  }
0x7d: {  	_ =	shalt  }
0x7e: {  	_ =	shalt  }
0x7f: {  	_ =	shalt  }
0x80: {  	_ =	shalt  }
0x81: {  	_ =	shalt  }
0x82: {  	_ =	shalt  }
0x83: {  	_ =	shalt  }
0x84: {  	_ =	shalt  }
0x85: {  	_ =	shalt  }
0x86: {  	_ =	shalt  }
0x87: {  	_ =	shalt  }
.Lfunc_end0:
.L_simem_size_0:
called_computation_lowered:
.L_overlay_start_0:
0x88: {  	s2 =	sld [smem:$0x3FD9]  }
0x89: {  	s3 =	sld [smem:$0x3FFE];
	_ =	sdelay $0x1  }
0x8a: {  	s1 =	srdreg.scid  }
0x8b: {  	s0 =	sand.u32 $0x1, s1  }
0x8c: {  	s14 =	sshll.u32 s0, $0xA;
	s2 =	sadd.s32 s3, s2  }
0x8d: {  	s2 =	sadd.s32 s2, s14  }
0x8e: {  	[smem:$0x3FBF] =	sst s2  }
0x8f: {  	_ = 	snop  }
0x90: {  	s2 =	sld [smem:$0x3FD0];
	_ =	sdelay $0x2  }
0x91: {  	s4 =	simm.s32 $0xA;
	s5 =	simm.s32 $0x10;
	s15 =	sld [smem:$0x3FC9]  }
0x92: {  	[smem:s5], [sflag:s4] =	dma.local [hbm:s2], $0x1  }
0x93: {  	_ =	swait.eq [sflag:s4], $0x1  }
0x94: {  	[sflag:s4] =	ssyncset.done $0x0  }
0x95: {  	[sflag:s4] =	ssyncadd.s32 $0xFFFFFFFF  }
0x96: {  	s16 =	sld [smem:$0x10];
	(tm) =	ssettm $0x1  }
0x97: {  	s17 =	sld [smem:$0x3FFB];
	_ =	sdelay $0x3  }
0x98: {  	_ =	strace s17  }
0x99: {  	s4 =	sld [smem:$0x3FFC];
	_ =	sdelay $0x3  }
0x9a: {  	_ =	strace s4  }
0x9b: {  	s4 =	sld [smem:$0x3FFD];
	_ =	sdelay $0x3  }
0x9c: {  	_ =	strace s4  }
0x9d: {  	_ =	strace $0x8FFFFFFF  }
0x9e: {  	s18 =	sld [smem:$0x3FDB];
	_ =	sdelay $0x1  }
0x9f: {  	s19 =	simm.s32 $_scs_section_size  }
0xa0: {  	s6 =	simm.s32 $_size__tile_overlayer_lowered;
	s7 =	simm.s32 $_tile_overlayer_lowered  }
0xa1: {  	s22 =	simm.s32 $0x1BFF;
	s21 =	sshll.u32 s7, $0x1;
	s4 =	sadd.s32 s19, s18  }
0xa2: {  	s8 =	simm.s32 $0x0;
	s20 =	sshll.u32 s6, $0x1;
	s6 =	sadd.s32 s21, s4  }
0xa3: {  	[timem:s8], [sflag:s22] =	dma.local [hbm:s6], s20  }
0xa4: {  	_ =	swait.ge [sflag:s22], s20  }
0xa5: {  	s5 =	ssub.s32 $0x0, s20;
	[sflag:s22] =	ssyncset.done $0x0  }
0xa6: {  	[sflag:s22] =	ssyncadd.s32 s5;
	_ =	sdelay $0x1  }
0xa7: {  	s23 =	simm.s32 $0x1B8B  }
0xa8: {  	_ =	swait.ge [sflag:s23], $0x1  }
0xa9: {  	[sflag:s23] =	ssyncset.done $0x0  }
0xaa: {  	s25 =	simm.s32 $0x1B8E;
	s24 =	sld [smem:$0x3FFE];
	[sflag:s23] =	ssyncadd.s32 $0xFFFFFFFF  }
0xab: {  	s26 =	simm.s32 $execute0_lowered;
	[smem:$0x3FD2] =	sst s25  }
0xac: {  	s6 =	sshll.u32 s26, $0x1;
	_ =	strace $0x80000046;
	[dreg:$0x1] =	wrdreg $0xFFFFFFFF  }
0xad: {  	s28 =	simm.s32 $_size_execute0_lowered;
	s4 =	sadd.s32 s4, s6;
	[dreg:$0x0] =	wrdreg $0x0  }
0xae: {  	s6 =	sshll.u32 s28, $0x1;
	[dreg:$0x2] =	wrdreg s4  }
0xaf: {  	[dreg:$0x3] =	wrdreg s6  }
0xb0: {  	[dreg:$0x4] =	wrdreg $0xC0  }
0xb1: {  	_ =	task [dreg:s8], $0x5FFFF  }
0xb2: {  	[dreg:$0x1] =	wrdreg $0xFFFFFFFF  }
0xb3: {  	[dreg:$0x0] =	wrdreg $0x60  }
0xb4: {  	[dreg:$0x2] =	wrdreg s15  }
0xb5: {  	[dreg:$0x3] =	wrdreg s24  }
0xb6: {  	[dreg:$0x4] =	wrdreg s16  }
0xb7: {  	[dreg:$0x5] =	wrdreg $0x9  }
0xb8: {  	_ =	task.clear_ibuf [dreg:s8], $0x6FFFF;
	_ =	strace $0x90000046  }
0xb9: {  	s29 =	simm.s32 $0x9;
	_ =	strace $0x80000048  }
0xba: {  	_ =	swait.ge [sflag:s29], $0x1  }
0xbb: {  	[sflag:s29] =	ssyncadd.s32 $0xFFFFFFFF  }
0xbc: {  	_ =	strace $0x90000048  }
0xbd: {  	_ =	sfence  }
0xbe: {  	s30 =	sld [smem:$0x0];
	_ =	sdelay $0x2  }
0xbf: {  	s31 =	sshll.u32 s1, $0xD;
	s1 =	sshrl.u32 s1, $0x2  }
0xc0: {  	s3 =	sand.u32 $0x4000, s31;
	s1 =	sadd.s32 s1, s30  }
0xc1: {  	s0 =	sor.u32 s3, s0;
	s1 =	sshll.u32 s1, $0x11  }
0xc2: {  	s0 =	sor.u32 s1, s0  }
0xc3: {  	s0 =	sadd.s32 $0x8F2B, s0  }
0xc4: {  	[sflag:s0] =	ssyncadd.remote.s32 $0x1  }
0xc5: {  	_ =	sfence.sel $0xFFFF  }
0xc6: {  	[dreg:$0x0] =	wrdreg $0xFFFFFFFF;
	(pc) =	sbr.abs _section_cstart, $3  }
0xc7: {  	[dreg:$0x1] =	wrdreg $0xFFFFFFFF  }
0xc8: {  	_ =	task.clear_ibuf [dreg:s8], $0x2FFFF;
	_ =	strace $0x9FFFFFFF  }
0xc9: {  	(tm) =	ssettm $0x7FFFFFFF  }
tec
execute0_lowered:
.L_overlay_start_1:
0x0: {  	(tag) =	ssettag $0x1  }
0x1: {  	s0 =	rddreg [dreg:$0x0]  }
0x2: {  	s1 =	rddreg [dreg:$0x1];
	s3 =	simm.s32 $0x0;
	s2 =	srdreg.scid  }
0x3: {  	s4 =	stileid.u32;
	s28 =	simm.s32 $0x1080;
	s29 =	simm.s32 $0x1880  }
0x4: {  	s30 =	simm.s32 $0x2080;
	s31 =	simm.s32 $0x2880;
	s12 =	simm.s32 $0x4880  }
0x5: {  	s13 =	simm.s32 $0x5080;
	s14 =	simm.s32 $0x5880;
	s15 =	simm.s32 $0x6080  }
0x6: {  	s16 =	simm.s32 $0x6880;
	s17 =	simm.s32 $0x7080;
	s18 =	simm.s32 $0x7880  }
0x7: {  	[smem:$0x7FF] =	sst s3;
	s2 =	sand.u32 $0x1, s2;
	s8 =	sadd.s32 $0x11400, s1  }
0x8: {  	s4 =	sshll.u32 s4, $0x8;
	s7 =	sadd.s32 $0x21400, s1;
	s5 =	sshll.u32 s2, $0x7  }
0x9: {  	_ =	strace $0x80000047;
	s2 =	ssub.s32 $0x2, s2;
	s5 =	sor.u32 s5, s4  }
0xa: {  	s4 =	sadd.s32 $0x21600, s1;
	s6 =	sshrl.u32 s2, $0x1;
	s9 =	sshrl.u32 s5, $0x3  }
0xb: {  	s2 =	ssub.s32 s2, s6;
	s20 =	sshll.u32 s5, $0x7;
	s22 =	sshll.u32 s5, $0x4  }
0xc: {  	s24 =	sor.u32 $0x40, s5;
	s5 =	sadd.s32 $0x21700, s1;
	s6 =	sadd.s32 $0x21800, s1  }
0xd: {  	s19 =	sadd.s32 s7, s9;
	s21 =	sadd.s32 s0, s20;
	s23 =	sadd.s32 s8, s22  }
0xe: {  	s10 =	sshrl.u32 s24, $0x3;
	s25 =	sshll.u32 s24, $0x7;
	[dreg:$0x4] =	wrdreg s19  }
0xf: {  	s9 =	sshll.u32 s24, $0x4;
	s22 =	simm.s32 $0x1;
	[dreg:$0x5] =	wrdreg s21  }
0x10: {  	s20 =	simm.s32 $0x8880;
	[dreg:$0x6] =	wrdreg s23;
	s7 =	sadd.s32 s7, s10  }
0x11: {  	s0 =	sadd.s32 s0, s25;
	s26 =	sadd.s32 s8, s9;
	s8 =	smax.u32 s2, $0x1  }
0x12: {  	s9 =	simm.s32 $0x3;
	s23 =	simm.s32 $0x2;
	s2 =	simm.s32 $0x3880  }
0x13: {  	v2 =	vlaneseq.u32;
	s19 =	simm.s32 $0x8080;
	s21 =	simm.s32 $0x9080;
	[dreg:$0x7] =	wrdreg s7  }
0x14: {  	vm0 =	vmmov $0xffff;
	v1 =	vshrl.u32 v2, $0x3;
	s10 =	simm.s32 $0x9880;
	s7 =	sadd.s32 $0x21900, s1;
	[dreg:$0x8] =	wrdreg s0  }
0x15: {  	v0 =	vand.u32 $0x7, v2;
	v2 =	vor.u32 $0x8, v2;
	v1 =	vmul.u32 $0x8, v1;
	[dreg:$0x9] =	wrdreg s26;
	s0 =	simm.s32 $0x10080;
	s26 =	simm.s32 $0x880  }
.LBB2_1:
0x16: {  	s24 =	rddreg [dreg:$0x4]  }
0x17: {  	[tilespmem:s3], [sflag:$0x3] =	stream.linear.gather [hbm4b:s24+s3], $0x40, $0x38;
	[tilespmem:$0x12080] =	vst v63  }
0x18: {  	_ =	swait.ge [sflag:s9], $0x40  }
0x19: {  	[sflag:s9] =	ssyncset.done $0x0  }
0x1a: {  	s11 =	simm.s32 $0x80;
	s25 =	rddreg [dreg:$0x5];
	[sflag:s9] =	ssyncadd.s32 $0xFFFFFFC0  }
0x1b: {  	[tilespmem:s11], [sflag:$0x3] =	stream.linear.gather [hbm4b:s25+s3], $0x10000, $0x38;
	[tilespmem:$0x12080] =	vst v63  }
0x1c: {  	_ =	swait.ge [sflag:s9], $0x10000  }
0x1d: {  	[sflag:s9] =	ssyncset.done $0x0  }
0x1e: {  	s1 =	rddreg [dreg:$0x6];
	[sflag:s9] =	ssyncadd.s32 $0xFFFF0000  }
0x1f: {  	[tilespmem:s0], [sflag:$0x3] =	stream.linear.gather [hbm4b:s1+s3], $0x2000, $0x38;
	[tilespmem:$0x12080] =	vst v63  }
0x20: {  	_ =	swait.ge [sflag:s9], $0x2000  }
0x21: {  	[sflag:s9] =	ssyncset.done $0x0  }
0x22: {  	[sflag:s9] =	ssyncadd.s32 $0xFFFFE000  }
0x23: {  	v3 =	vld [tilespmem:$0x0];
	_ =	sdelay $0x4  }
0x24: {  	v4 =	vshll.u32 v3, $0x3  }
0x25: {  	v3 =	vand.u32 $0x7, v3;
	v4 =	vand.u32 $0xFFFFFFC0, v4  }
0x26: {  	v3 =	vor.u32 v3, v4  }
0x27: {  	v4 =	vperm.xlane v3, v0;
	_ =	sdelay $0x1  }
0x28: {  	v4 =	vadd.s32 v1, v4;
	_ =	sdelay $0x4  }
0x29: {  	[hbm4b:s4+s3] =	stream.indirect_vreg.scatter [tilespmem:s11], [sflag:$0x1], $0x80, v4, vm0, $0xb8;
	[tilespmem:$0x12080] =	vst v63  }
0x2a: {  	v3 =	vperm.xlane v3, v2  }
0x2b: {  	[hbm4b:s5+s3] =	stream.indirect_vreg.scatter [tilespmem:s26], [sflag:$0x1], $0x80, v4, vm0, $0xb8;
	[tilespmem:$0x12080] =	vst v63  }
0x2c: {  	v3 =	vadd.s32 v1, v3  }
0x2d: {  	[hbm4b:s6+s3] =	stream.indirect_vreg.scatter [tilespmem:s28], [sflag:$0x1], $0x80, v4, vm0, $0xb8;
	[tilespmem:$0x12080] =	vst v63  }
0x2e: {  	_ = 	snop  }
0x2f: {  	[hbm4b:s7+s3] =	stream.indirect_vreg.scatter [tilespmem:s29], [sflag:$0x1], $0x80, v4, vm0, $0xb8;
	[tilespmem:$0x12080] =	vst v63  }
0x30: {  	_ = 	snop  }
0x31: {  	[hbm4b:s4+s3] =	stream.indirect_vreg.scatter [tilespmem:s30], [sflag:$0x1], $0x80, v3, vm0, $0xb8;
	[tilespmem:$0x12080] =	vst v63  }
0x32: {  	_ = 	snop  }
0x33: {  	[hbm4b:s5+s3] =	stream.indirect_vreg.scatter [tilespmem:s31], [sflag:$0x1], $0x80, v3, vm0, $0xb8;
	[tilespmem:$0x12080] =	vst v63  }
0x34: {  	s1 =	simm.s32 $0x3080  }
0x35: {  	[hbm4b:s6+s3] =	stream.indirect_vreg.scatter [tilespmem:s1], [sflag:$0x1], $0x80, v3, vm0, $0xb8;
	[tilespmem:$0x12080] =	vst v63  }
0x36: {  	_ = 	snop  }
0x37: {  	[hbm4b:s7+s3] =	stream.indirect_vreg.scatter [tilespmem:s2], [sflag:$0x1], $0x80, v3, vm0, $0xb8;
	[tilespmem:$0x12080] =	vst v63  }
0x38: {  	v3 =	vld [tilespmem:$0x10];
	_ =	sdelay $0x4  }
0x39: {  	v57 =	vshll.u32 v3, $0x3  }
0x3a: {  	v3 =	vand.u32 $0x7, v3;
	v4 =	vand.u32 $0xFFFFFFC0, v57  }
0x3b: {  	v3 =	vor.u32 v3, v4  }
0x3c: {  	v4 =	vperm.xlane v3, v0;
	_ =	sdelay $0x1  }
0x3d: {  	v4 =	vadd.s32 v1, v4;
	_ =	sdelay $0x3  }
0x3e: {  	s1 =	simm.s32 $0x4080  }
0x3f: {  	[hbm4b:s4+s3] =	stream.indirect_vreg.scatter [tilespmem:s1], [sflag:$0x1], $0x80, v4, vm0, $0xb8;
	[tilespmem:$0x12080] =	vst v63  }
0x40: {  	v3 =	vperm.xlane v3, v2  }
0x41: {  	[hbm4b:s5+s3] =	stream.indirect_vreg.scatter [tilespmem:s12], [sflag:$0x1], $0x80, v4, vm0, $0xb8;
	[tilespmem:$0x12080] =	vst v63  }
0x42: {  	v3 =	vadd.s32 v1, v3  }
0x43: {  	[hbm4b:s6+s3] =	stream.indirect_vreg.scatter [tilespmem:s13], [sflag:$0x1], $0x80, v4, vm0, $0xb8;
	[tilespmem:$0x12080] =	vst v63  }
0x44: {  	_ = 	snop  }
0x45: {  	[hbm4b:s7+s3] =	stream.indirect_vreg.scatter [tilespmem:s14], [sflag:$0x1], $0x80, v4, vm0, $0xb8;
	[tilespmem:$0x12080] =	vst v63  }
0x46: {  	_ = 	snop  }
0x47: {  	[hbm4b:s4+s3] =	stream.indirect_vreg.scatter [tilespmem:s15], [sflag:$0x1], $0x80, v3, vm0, $0xb8;
	[tilespmem:$0x12080] =	vst v63  }
0x48: {  	_ = 	snop  }
0x49: {  	[hbm4b:s5+s3] =	stream.indirect_vreg.scatter [tilespmem:s16], [sflag:$0x1], $0x80, v3, vm0, $0xb8;
	[tilespmem:$0x12080] =	vst v63  }
0x4a: {  	_ = 	snop  }
0x4b: {  	[hbm4b:s6+s3] =	stream.indirect_vreg.scatter [tilespmem:s17], [sflag:$0x1], $0x80, v3, vm0, $0xb8;
	[tilespmem:$0x12080] =	vst v63  }
0x4c: {  	_ = 	snop  }
0x4d: {  	[hbm4b:s7+s3] =	stream.indirect_vreg.scatter [tilespmem:s18], [sflag:$0x1], $0x80, v3, vm0, $0xb8;
	[tilespmem:$0x12080] =	vst v63  }
0x4e: {  	v3 =	vld [tilespmem:$0x20];
	_ =	sdelay $0x4  }
0x4f: {  	v58 =	vshll.u32 v3, $0x3  }
0x50: {  	v3 =	vand.u32 $0x7, v3;
	v4 =	vand.u32 $0xFFFFFFC0, v58  }
0x51: {  	v3 =	vor.u32 v3, v4  }
0x52: {  	v4 =	vperm.xlane v3, v0;
	_ =	sdelay $0x1  }
0x53: {  	v4 =	vadd.s32 v1, v4;
	_ =	sdelay $0x4  }
0x54: {  	[hbm4b:s4+s3] =	stream.indirect_vreg.scatter [tilespmem:s19], [sflag:$0x1], $0x80, v4, vm0, $0xb8;
	[tilespmem:$0x12080] =	vst v63  }
0x55: {  	v3 =	vperm.xlane v3, v2  }
0x56: {  	[hbm4b:s5+s3] =	stream.indirect_vreg.scatter [tilespmem:s20], [sflag:$0x1], $0x80, v4, vm0, $0xb8;
	[tilespmem:$0x12080] =	vst v63  }
0x57: {  	v3 =	vadd.s32 v1, v3  }
0x58: {  	[hbm4b:s6+s3] =	stream.indirect_vreg.scatter [tilespmem:s21], [sflag:$0x1], $0x80, v4, vm0, $0xb8;
	[tilespmem:$0x12080] =	vst v63  }
0x59: {  	_ = 	snop  }
0x5a: {  	[hbm4b:s7+s3] =	stream.indirect_vreg.scatter [tilespmem:s10], [sflag:$0x1], $0x80, v4, vm0, $0xb8;
	[tilespmem:$0x12080] =	vst v63  }
0x5b: {  	s25 =	simm.s32 $0xA080  }
0x5c: {  	[hbm4b:s4+s3] =	stream.indirect_vreg.scatter [tilespmem:s25], [sflag:$0x1], $0x80, v3, vm0, $0xb8;
	[tilespmem:$0x12080] =	vst v63  }
0x5d: {  	s25 =	simm.s32 $0xA880  }
0x5e: {  	[hbm4b:s5+s3] =	stream.indirect_vreg.scatter [tilespmem:s25], [sflag:$0x1], $0x80, v3, vm0, $0xb8;
	[tilespmem:$0x12080] =	vst v63  }
0x5f: {  	s25 =	simm.s32 $0xB080  }
0x60: {  	[hbm4b:s6+s3] =	stream.indirect_vreg.scatter [tilespmem:s25], [sflag:$0x1], $0x80, v3, vm0, $0xb8;
	[tilespmem:$0x12080] =	vst v63  }
0x61: {  	s25 =	simm.s32 $0xB880  }
0x62: {  	[hbm4b:s7+s3] =	stream.indirect_vreg.scatter [tilespmem:s25], [sflag:$0x1], $0x80, v3, vm0, $0xb8;
	[tilespmem:$0x12080] =	vst v63  }
0x63: {  	v3 =	vld [tilespmem:$0x30];
	_ =	sdelay $0x4  }
0x64: {  	v59 =	vshll.u32 v3, $0x3  }
0x65: {  	v3 =	vand.u32 $0x7, v3;
	v4 =	vand.u32 $0xFFFFFFC0, v59  }
0x66: {  	v3 =	vor.u32 v3, v4  }
0x67: {  	v4 =	vperm.xlane v3, v0;
	_ =	sdelay $0x1  }
0x68: {  	v4 =	vadd.s32 v1, v4;
	_ =	sdelay $0x3  }
0x69: {  	s25 =	simm.s32 $0xC080  }
0x6a: {  	[hbm4b:s4+s3] =	stream.indirect_vreg.scatter [tilespmem:s25], [sflag:$0x1], $0x80, v4, vm0, $0xb8;
	[tilespmem:$0x12080] =	vst v63  }
0x6b: {  	v3 =	vperm.xlane v3, v2;
	s25 =	simm.s32 $0xC880  }
0x6c: {  	[hbm4b:s5+s3] =	stream.indirect_vreg.scatter [tilespmem:s25], [sflag:$0x1], $0x80, v4, vm0, $0xb8;
	[tilespmem:$0x12080] =	vst v63  }
0x6d: {  	v3 =	vadd.s32 v1, v3;
	s25 =	simm.s32 $0xD080  }
0x6e: {  	[hbm4b:s6+s3] =	stream.indirect_vreg.scatter [tilespmem:s25], [sflag:$0x1], $0x80, v4, vm0, $0xb8;
	[tilespmem:$0x12080] =	vst v63  }
0x6f: {  	s25 =	simm.s32 $0xD880  }
0x70: {  	[hbm4b:s7+s3] =	stream.indirect_vreg.scatter [tilespmem:s25], [sflag:$0x1], $0x80, v4, vm0, $0xb8;
	[tilespmem:$0x12080] =	vst v63  }
0x71: {  	s25 =	simm.s32 $0xE080  }
0x72: {  	[hbm4b:s4+s3] =	stream.indirect_vreg.scatter [tilespmem:s25], [sflag:$0x1], $0x80, v3, vm0, $0xb8;
	[tilespmem:$0x12080] =	vst v63  }
0x73: {  	s25 =	simm.s32 $0xE880  }
0x74: {  	[hbm4b:s5+s3] =	stream.indirect_vreg.scatter [tilespmem:s25], [sflag:$0x1], $0x80, v3, vm0, $0xb8;
	[tilespmem:$0x12080] =	vst v63  }
0x75: {  	s25 =	simm.s32 $0xF080  }
0x76: {  	[hbm4b:s6+s3] =	stream.indirect_vreg.scatter [tilespmem:s25], [sflag:$0x1], $0x80, v3, vm0, $0xb8;
	[tilespmem:$0x12080] =	vst v63  }
0x77: {  	s25 =	simm.s32 $0xF880  }
0x78: {  	[hbm4b:s7+s3] =	stream.indirect_vreg.scatter [tilespmem:s25], [sflag:$0x1], $0x80, v3, vm0, $0xb8;
	[tilespmem:$0x12080] =	vst v63  }
0x79: {  	s24 =	simm.s32 $0x40;
	s25 =	rddreg [dreg:$0x2]  }
0x7a: {  	[hbm4b:s25+s24] =	stream.indirect.scatter [tilespmem:s0], [sflag:$0x2], $0x80, s3, s24, $0xb8;
	[tilespmem:$0x12080] =	vst v63  }
0x7b: {  	_ =	swait.ge [sflag:s22], $0x10000  }
0x7c: {  	[sflag:s22] =	ssyncset.done $0x0  }
0x7d: {  	[sflag:s22] =	ssyncadd.s32 $0xFFFF0000  }
0x7e: {  	_ =	swait.ge [sflag:s23], $0x2000  }
0x7f: {  	[sflag:s23] =	ssyncset.done $0x0  }
0x80: {  	s24 =	rddreg [dreg:$0x7];
	[sflag:s23] =	ssyncadd.s32 $0xFFFFE000  }
0x81: {  	[tilespmem:s3], [sflag:$0x3] =	stream.linear.gather [hbm4b:s24+s3], $0x40, $0x38;
	[tilespmem:$0x12080] =	vst v63  }
0x82: {  	_ =	swait.ge [sflag:s9], $0x40  }
0x83: {  	[sflag:s9] =	ssyncset.done $0x0  }
0x84: {  	s24 =	rddreg [dreg:$0x8];
	[sflag:s9] =	ssyncadd.s32 $0xFFFFFFC0  }
0x85: {  	[tilespmem:s11], [sflag:$0x3] =	stream.linear.gather [hbm4b:s24+s3], $0x10000, $0x38;
	[tilespmem:$0x12080] =	vst v63  }
0x86: {  	_ =	swait.ge [sflag:s9], $0x10000  }
0x87: {  	[sflag:s9] =	ssyncset.done $0x0  }
0x88: {  	s24 =	rddreg [dreg:$0x9];
	[sflag:s9] =	ssyncadd.s32 $0xFFFF0000  }
0x89: {  	[tilespmem:s0], [sflag:$0x3] =	stream.linear.gather [hbm4b:s24+s3], $0x2000, $0x38;
	[tilespmem:$0x12080] =	vst v63  }
0x8a: {  	_ =	swait.ge [sflag:s9], $0x2000  }
0x8b: {  	[sflag:s9] =	ssyncset.done $0x0  }
0x8c: {  	[sflag:s9] =	ssyncadd.s32 $0xFFFFE000  }
0x8d: {  	v3 =	vld [tilespmem:$0x0];
	_ =	sdelay $0x4  }
0x8e: {  	v60 =	vshll.u32 v3, $0x3  }
0x8f: {  	v3 =	vand.u32 $0x7, v3;
	v4 =	vand.u32 $0xFFFFFFC0, v60  }
0x90: {  	v3 =	vor.u32 v3, v4  }
0x91: {  	v4 =	vperm.xlane v3, v0;
	_ =	sdelay $0x1  }
0x92: {  	v4 =	vadd.s32 v1, v4;
	_ =	sdelay $0x4  }
0x93: {  	[hbm4b:s4+s3] =	stream.indirect_vreg.scatter [tilespmem:s11], [sflag:$0x1], $0x80, v4, vm0, $0xb8;
	[tilespmem:$0x12080] =	vst v63  }
0x94: {  	v3 =	vperm.xlane v3, v2  }
0x95: {  	[hbm4b:s5+s3] =	stream.indirect_vreg.scatter [tilespmem:s26], [sflag:$0x1], $0x80, v4, vm0, $0xb8;
	[tilespmem:$0x12080] =	vst v63  }
0x96: {  	v3 =	vadd.s32 v1, v3  }
0x97: {  	[hbm4b:s6+s3] =	stream.indirect_vreg.scatter [tilespmem:s28], [sflag:$0x1], $0x80, v4, vm0, $0xb8;
	[tilespmem:$0x12080] =	vst v63  }
0x98: {  	_ = 	snop  }
0x99: {  	[hbm4b:s7+s3] =	stream.indirect_vreg.scatter [tilespmem:s29], [sflag:$0x1], $0x80, v4, vm0, $0xb8;
	[tilespmem:$0x12080] =	vst v63  }
0x9a: {  	_ = 	snop  }
0x9b: {  	[hbm4b:s4+s3] =	stream.indirect_vreg.scatter [tilespmem:s30], [sflag:$0x1], $0x80, v3, vm0, $0xb8;
	[tilespmem:$0x12080] =	vst v63  }
0x9c: {  	_ = 	snop  }
0x9d: {  	[hbm4b:s5+s3] =	stream.indirect_vreg.scatter [tilespmem:s31], [sflag:$0x1], $0x80, v3, vm0, $0xb8;
	[tilespmem:$0x12080] =	vst v63  }
0x9e: {  	s24 =	simm.s32 $0x3080  }
0x9f: {  	[hbm4b:s6+s3] =	stream.indirect_vreg.scatter [tilespmem:s24], [sflag:$0x1], $0x80, v3, vm0, $0xb8;
	[tilespmem:$0x12080] =	vst v63  }
0xa0: {  	_ = 	snop  }
0xa1: {  	[hbm4b:s7+s3] =	stream.indirect_vreg.scatter [tilespmem:s2], [sflag:$0x1], $0x80, v3, vm0, $0xb8;
	[tilespmem:$0x12080] =	vst v63  }
0xa2: {  	v3 =	vld [tilespmem:$0x10];
	_ =	sdelay $0x4  }
0xa3: {  	v61 =	vshll.u32 v3, $0x3  }
0xa4: {  	v3 =	vand.u32 $0x7, v3;
	v4 =	vand.u32 $0xFFFFFFC0, v61  }
0xa5: {  	v3 =	vor.u32 v3, v4  }
0xa6: {  	v4 =	vperm.xlane v3, v0;
	_ =	sdelay $0x1  }
0xa7: {  	v4 =	vadd.s32 v1, v4;
	_ =	sdelay $0x4  }
0xa8: {  	[hbm4b:s4+s3] =	stream.indirect_vreg.scatter [tilespmem:s1], [sflag:$0x1], $0x80, v4, vm0, $0xb8;
	[tilespmem:$0x12080] =	vst v63  }
0xa9: {  	v3 =	vperm.xlane v3, v2  }
0xaa: {  	[hbm4b:s5+s3] =	stream.indirect_vreg.scatter [tilespmem:s12], [sflag:$0x1], $0x80, v4, vm0, $0xb8;
	[tilespmem:$0x12080] =	vst v63  }
0xab: {  	v3 =	vadd.s32 v1, v3  }
0xac: {  	[hbm4b:s6+s3] =	stream.indirect_vreg.scatter [tilespmem:s13], [sflag:$0x1], $0x80, v4, vm0, $0xb8;
	[tilespmem:$0x12080] =	vst v63  }
0xad: {  	_ = 	snop  }
0xae: {  	[hbm4b:s7+s3] =	stream.indirect_vreg.scatter [tilespmem:s14], [sflag:$0x1], $0x80, v4, vm0, $0xb8;
	[tilespmem:$0x12080] =	vst v63  }
0xaf: {  	_ = 	snop  }
0xb0: {  	[hbm4b:s4+s3] =	stream.indirect_vreg.scatter [tilespmem:s15], [sflag:$0x1], $0x80, v3, vm0, $0xb8;
	[tilespmem:$0x12080] =	vst v63  }
0xb1: {  	_ = 	snop  }
0xb2: {  	[hbm4b:s5+s3] =	stream.indirect_vreg.scatter [tilespmem:s16], [sflag:$0x1], $0x80, v3, vm0, $0xb8;
	[tilespmem:$0x12080] =	vst v63  }
0xb3: {  	_ = 	snop  }
0xb4: {  	[hbm4b:s6+s3] =	stream.indirect_vreg.scatter [tilespmem:s17], [sflag:$0x1], $0x80, v3, vm0, $0xb8;
	[tilespmem:$0x12080] =	vst v63  }
0xb5: {  	_ = 	snop  }
0xb6: {  	[hbm4b:s7+s3] =	stream.indirect_vreg.scatter [tilespmem:s18], [sflag:$0x1], $0x80, v3, vm0, $0xb8;
	[tilespmem:$0x12080] =	vst v63  }
0xb7: {  	v3 =	vld [tilespmem:$0x20];
	_ =	sdelay $0x4  }
0xb8: {  	v62 =	vshll.u32 v3, $0x3  }
0xb9: {  	v3 =	vand.u32 $0x7, v3;
	v4 =	vand.u32 $0xFFFFFFC0, v62  }
0xba: {  	v3 =	vor.u32 v3, v4  }
0xbb: {  	v4 =	vperm.xlane v3, v0;
	_ =	sdelay $0x1  }
0xbc: {  	v4 =	vadd.s32 v1, v4;
	_ =	sdelay $0x4  }
0xbd: {  	[hbm4b:s4+s3] =	stream.indirect_vreg.scatter [tilespmem:s19], [sflag:$0x1], $0x80, v4, vm0, $0xb8;
	[tilespmem:$0x12080] =	vst v63  }
0xbe: {  	v3 =	vperm.xlane v3, v2  }
0xbf: {  	[hbm4b:s5+s3] =	stream.indirect_vreg.scatter [tilespmem:s20], [sflag:$0x1], $0x80, v4, vm0, $0xb8;
	[tilespmem:$0x12080] =	vst v63  }
0xc0: {  	v3 =	vadd.s32 v1, v3  }
0xc1: {  	[hbm4b:s6+s3] =	stream.indirect_vreg.scatter [tilespmem:s21], [sflag:$0x1], $0x80, v4, vm0, $0xb8;
	[tilespmem:$0x12080] =	vst v63  }
0xc2: {  	_ = 	snop  }
0xc3: {  	[hbm4b:s7+s3] =	stream.indirect_vreg.scatter [tilespmem:s10], [sflag:$0x1], $0x80, v4, vm0, $0xb8;
	[tilespmem:$0x12080] =	vst v63  }
0xc4: {  	s24 =	simm.s32 $0xA080  }
0xc5: {  	[hbm4b:s4+s3] =	stream.indirect_vreg.scatter [tilespmem:s24], [sflag:$0x1], $0x80, v3, vm0, $0xb8;
	[tilespmem:$0x12080] =	vst v63  }
0xc6: {  	s11 =	simm.s32 $0xA880  }
0xc7: {  	[hbm4b:s5+s3] =	stream.indirect_vreg.scatter [tilespmem:s11], [sflag:$0x1], $0x80, v3, vm0, $0xb8;
	[tilespmem:$0x12080] =	vst v63  }
0xc8: {  	s24 =	simm.s32 $0xB080  }
0xc9: {  	[hbm4b:s6+s3] =	stream.indirect_vreg.scatter [tilespmem:s24], [sflag:$0x1], $0x80, v3, vm0, $0xb8;
	[tilespmem:$0x12080] =	vst v63  }
0xca: {  	s11 =	simm.s32 $0xB880  }
0xcb: {  	[hbm4b:s7+s3] =	stream.indirect_vreg.scatter [tilespmem:s11], [sflag:$0x1], $0x80, v3, vm0, $0xb8;
	[tilespmem:$0x12080] =	vst v63  }
0xcc: {  	v3 =	vld [tilespmem:$0x30];
	_ =	sdelay $0x4  }
0xcd: {  	v63 =	vshll.u32 v3, $0x3  }
0xce: {  	v3 =	vand.u32 $0x7, v3;
	v4 =	vand.u32 $0xFFFFFFC0, v63  }
0xcf: {  	v3 =	vor.u32 v3, v4  }
0xd0: {  	v4 =	vperm.xlane v3, v0;
	_ =	sdelay $0x1  }
0xd1: {  	v4 =	vadd.s32 v1, v4;
	_ =	sdelay $0x3  }
0xd2: {  	s24 =	simm.s32 $0xC080  }
0xd3: {  	[hbm4b:s4+s3] =	stream.indirect_vreg.scatter [tilespmem:s24], [sflag:$0x1], $0x80, v4, vm0, $0xb8;
	[tilespmem:$0x12080] =	vst v63  }
0xd4: {  	s11 =	simm.s32 $0xC880;
	v3 =	vperm.xlane v3, v2  }
0xd5: {  	[hbm4b:s5+s3] =	stream.indirect_vreg.scatter [tilespmem:s11], [sflag:$0x1], $0x80, v4, vm0, $0xb8;
	[tilespmem:$0x12080] =	vst v63  }
0xd6: {  	v3 =	vadd.s32 v1, v3;
	s24 =	simm.s32 $0xD080  }
0xd7: {  	[hbm4b:s6+s3] =	stream.indirect_vreg.scatter [tilespmem:s24], [sflag:$0x1], $0x80, v4, vm0, $0xb8;
	[tilespmem:$0x12080] =	vst v63  }
0xd8: {  	s11 =	simm.s32 $0xD880  }
0xd9: {  	[hbm4b:s7+s3] =	stream.indirect_vreg.scatter [tilespmem:s11], [sflag:$0x1], $0x80, v4, vm0, $0xb8;
	[tilespmem:$0x12080] =	vst v63  }
0xda: {  	s24 =	simm.s32 $0xE080  }
0xdb: {  	[hbm4b:s4+s3] =	stream.indirect_vreg.scatter [tilespmem:s24], [sflag:$0x1], $0x80, v3, vm0, $0xb8;
	[tilespmem:$0x12080] =	vst v63  }
0xdc: {  	s11 =	simm.s32 $0xE880  }
0xdd: {  	[hbm4b:s5+s3] =	stream.indirect_vreg.scatter [tilespmem:s11], [sflag:$0x1], $0x80, v3, vm0, $0xb8;
	[tilespmem:$0x12080] =	vst v63  }
0xde: {  	s24 =	simm.s32 $0xF080  }
0xdf: {  	[hbm4b:s6+s3] =	stream.indirect_vreg.scatter [tilespmem:s24], [sflag:$0x1], $0x80, v3, vm0, $0xb8;
	[tilespmem:$0x12080] =	vst v63  }
0xe0: {  	s11 =	simm.s32 $0xF880  }
0xe1: {  	[hbm4b:s7+s3] =	stream.indirect_vreg.scatter [tilespmem:s11], [sflag:$0x1], $0x80, v3, vm0, $0xb8;
	[tilespmem:$0x12080] =	vst v63  }
0xe2: {  	s24 =	simm.s32 $0x40  }
0xe3: {  	[hbm4b:s25+s24] =	stream.indirect.scatter [tilespmem:s0], [sflag:$0x2], $0x80, s3, s24, $0xb8;
	[tilespmem:$0x12080] =	vst v63  }
0xe4: {  	p0 =	sne.s32 s8, $0x1;
	_ =	swait.ge [sflag:s22], $0x10000  }
.Ltmp0:
0xe5: {  	[sflag:s22] =	ssyncset.done $0x0;
	(pc) =	sbr.rel @p0 .LBB2_1-.Ltmp0, $4  }
0xe6: {  	[sflag:s22] =	ssyncadd.s32 $0xFFFF0000  }
0xe7: {  	_ =	swait.ge [sflag:s23], $0x2000  }
0xe8: {  	[sflag:s23] =	ssyncset.done $0x0  }
0xe9: {  	s8 =	sadd.s32 $0xFFFFFFFF, s8;
	[sflag:s23] =	ssyncadd.s32 $0xFFFFE000  }
0xea: {  	_ =	sfence.sel $0x180000  }
0xeb: {  	[bflag:$0x0] =	sbarrier.arrive $0xFFFF  }
0xec: {  	_ =	strace $0x90000047  }
0xed: {  	s0 =	stileid.u32;
	[bflag:$0x2] =	sbarrier.arrive $0xFFFF  }
0xee: {  	p0 =	sne.s32 s0, $0x0;
	s0 =	rddreg [dreg:$0x3]  }
0xef: {  	s0 =	sadd.s32 @!p0 $0x100000, s0  }
0xf0: {  	[sflag:s0] =	ssyncadd.tile.s32 @!p0 $0x1;
	_ =	shalt  }
.Lfunc_end2:
_tile_overlayer_lowered:
.L_overlay_start_2:
0xf1: {  	(tag) =	ssettag $0x2  }
0xf2: {  	s0 =	rddreg [dreg:$0x0];
	s2 =	stileid.u32  }
0xf3: {  	s1 =	rddreg [dreg:$0x1];
	p0 =	sne.s32 s2, $0x0  }
0xf4: {  	s3 =	rddreg [dreg:$0x2];
	[bflag:$0x3] =	sbarrier.arrive $0xFFFF;
	s2 =	simm.s32 @!p0 $0x1C03  }
0xf5: {  	[timem:s3], [sflag:s2] =	dma.local @!p0 [hbm:s0], s1  }
0xf6: {  	s0 =	simm.s32 @!p0 $0x3  }
0xf7: {  	_ =	swait.ge @!p0 [sflag:s0], s1  }
0xf8: {  	s1 =	ssub.s32 @!p0 $0x0, s1;
	[sflag:s0] =	ssyncset.done @!p0 $0x0  }
0xf9: {  	[sflag:s0] =	ssyncadd.s32 @!p0 s1  }
0xfa: {  	[bflag:$0x3] =	sbarrier.arrive $0xFFFF  }
0xfb: {  	_ =	shalt  }

</sc_bundles>
